<compile_context>
chip_gen: v7x
topology: tpu7x:2x2x1
jax: 0.10.2.dev20260603
libtpu: 0.0.44.dev20260713+nightly
codegen_flags: <defaults>
</compile_context>

<pallas_src>
import functools

import jax
import jax.numpy as jnp
from jax import lax
from jax.experimental import pallas as pl
from jax.experimental.pallas import tpu as pltpu
from jax.experimental.pallas import tpu_sc as plsc

TYPE_SIZE = 16
EMBED = 128
NW = 32
CHUNK = 80
NBUF = 8
AHEAD = 4


def _make_lookup(total):
    per_w = total // NW
    iters = per_w // CHUNK
    assert iters % NBUF == 0 and CHUNK % 8 == 0
    mesh = plsc.VectorSubcoreMesh(core_axis_name="c", subcore_axis_name="s")

    @functools.partial(
        pl.kernel,
        mesh=mesh,
        out_type=jax.ShapeDtypeStruct((total, EMBED), jnp.float32),
        scratch_types=[
            pltpu.VMEM_SHARED((TYPE_SIZE, EMBED), jnp.float32),
            pltpu.VMEM((per_w,), jnp.int32),
            pltpu.VMEM((NBUF, CHUNK, EMBED), jnp.float32),
            pltpu.SemaphoreType.DMA((NBUF,)),
            pltpu.SemaphoreType.DMA((NBUF,)),
        ],
    )
    def lookup(idx_hbm, table_hbm, out_hbm, table_sh, idx_v, rows_v, gsem, wsem):
        wid = lax.axis_index("s") * 2 + lax.axis_index("c")
        base = pl.multiple_of(wid * per_w, 8)
        pltpu.sync_copy(idx_hbm.at[pl.ds(base, per_w)], idx_v)

        @pl.when(lax.axis_index("s") == 0)
        def _():
            pltpu.sync_copy(table_hbm, table_sh)

        plsc.subcore_barrier()

        def idx_at(it):
            return idx_v.at[pl.ds(pl.multiple_of(it * CHUNK, 8), CHUNK)]

        def gather(it, b):
            return pltpu.make_async_copy(
                table_sh.at[idx_at(it)], rows_v.at[b], gsem.at[b]
            )

        def write(it, b):
            off = pl.multiple_of(base + it * CHUNK, 8)
            return pltpu.make_async_copy(
                rows_v.at[b], out_hbm.at[pl.ds(off, CHUNK)], wsem.at[b]
            )

        for p in range(AHEAD):
            gather(p, p).start()

        def group(g, carry):
            for b in range(NBUF):
                it = g * NBUF + b
                gather(it, b).wait()
                nxt = it + AHEAD
                bf = (b + AHEAD) % NBUF

                @pl.when(nxt < iters)
                def _():
                    @pl.when(nxt >= NBUF)
                    def _():
                        write(nxt - NBUF, bf).wait()

                    gather(nxt, bf).start()

                write(it, b).start()
            return carry

        lax.fori_loop(0, iters // NBUF, group, 0)

        for b in range(NBUF):
            write(iters - NBUF + b, b).wait()

    return lookup


def kernel(type_ids, table):
    b, l = type_ids.shape
    total = b * l
    flat = type_ids.reshape(total)
    out = _make_lookup(total)(flat, table)
    return out.reshape(b, l, EMBED)

# --- scband reference (transcript-rebuilt; emitter-appended) ---
"""Pipeline reference for scband-lexicon-embedding-49297634623554 (READ-ONLY COPY).

The authoritative reference and input builder live on the scoring server;
editing this copy changes nothing except your own understanding.
"""

import jax, jax.numpy as jnp
import numpy as np

TYPE_SIZE = 16   # number of entity tag types + 'O'
EMBED = 128
B, L = 4096, 200

def setup_inputs(seed: int = 0) -> dict:
    key = jax.random.key(seed)
    k1, k2 = jax.random.split(key)
    # type_ids plays the role of the CPU-side lexicon matching output;
    # the tensor computation in forward() is a plain embedding lookup.
    type_ids = jax.random.randint(k1, (B, L), 0, TYPE_SIZE, dtype=jnp.int32)
    table = jax.random.normal(k2, (TYPE_SIZE, EMBED), dtype=jnp.float32) * 0.02
    return {"type_ids": type_ids, "table": table}

def reference(type_ids, table):
    # lexicon_emb = self.lexicon_embeds(type_ids)
    lexicon_emb = jnp.take(table, type_ids, axis=0)
    return lexicon_emb

if __name__ == "__main__":
    import jax
    _d = setup_inputs()
    print(jax.jit(kernel)(*tuple(_d.values())))

</pallas_src>

<mosaic_0001>
#map = affine_map<(d0, d1) -> (0)>
#map1 = affine_map<(d0, d1) -> (0, 0)>
module attributes {stable_mosaic.version = 14 : i64} {
  func.func @lookup(%arg0: i32, %arg1: i32, %arg2: memref<819200xi32, #tpu.memory_space<hbm>>, %arg3: memref<16x128xf32, #tpu.memory_space<hbm>>, %arg4: memref<819200x128xf32, #tpu.memory_space<hbm>>, %arg5: memref<16x128xf32, #tpu.memory_space<vmem_shared>>, %arg6: memref<25600xi32, #tpu.memory_space<vmem>>, %arg7: memref<8x80x128xf32, #tpu.memory_space<vmem>>, %arg8: memref<8x!tpu.dma_semaphore, #tpu.memory_space<semaphore_mem>>, %arg9: memref<8x!tpu.dma_semaphore, #tpu.memory_space<semaphore_mem>>) attributes {dimension_semantics = [#tpu.dimension_semantics<core_parallel>, #tpu.dimension_semantics<subcore_parallel>], iteration_bounds = array<i64: 2, 16>, scalar_prefetch = 0 : i64, scratch_operands = 5 : i64, tpu.core_type = #tpu.core_type<sc_vector_subcore>, window_params = [{transform_indices = #map}, {transform_indices = #map1}, {transform_indices = #map1}]} {
    %mul3A = arith.constant 2 : i32
    %mul3A_0 = arith.muli %arg1, %mul3A : i32
    %add3A = arith.addi %mul3A_0, %arg0 : i32
    %mul3A_1 = arith.constant 25600 : i32
    %mul3A_2 = arith.muli %add3A, %mul3A_1 : i32
    %multiple_of3A = tpu.assume_multiple %mul3A_2, 8 : i32
    "tpu.region"() ({
      %run_scoped3A = tpu.sem_alloc : memref<!tpu.dma_semaphore, #tpu.memory_space<semaphore_mem>>
      %dma_start3A_216 = tpu.memref_slice %arg2[%multiple_of3A] : memref<819200xi32, #tpu.memory_space<hbm>> -> memref<25600xi32, #tpu.memory_space<hbm>>
      %dma_start3A_217 = tpu.memref_slice %arg2[%multiple_of3A] : memref<819200xi32, #tpu.memory_space<hbm>> -> memref<25600xi32, #tpu.memory_space<hbm>>
      tpu.enqueue_dma source(%dma_start3A_217 : memref<25600xi32, #tpu.memory_space<hbm>>) target(%arg6 : memref<25600xi32, #tpu.memory_space<vmem>>) target_semaphore(%run_scoped3A : memref<!tpu.dma_semaphore, #tpu.memory_space<semaphore_mem>>)
      %dma_wait3A_218 = tpu.memref_slice %arg2[%multiple_of3A] : memref<819200xi32, #tpu.memory_space<hbm>> -> memref<25600xi32, #tpu.memory_space<hbm>>
      %dma_wait3A_219 = tpu.memref_slice %arg2[%multiple_of3A] : memref<819200xi32, #tpu.memory_space<hbm>> -> memref<25600xi32, #tpu.memory_space<hbm>>
      tpu.wait_dma2 semaphore(%run_scoped3A : memref<!tpu.dma_semaphore, #tpu.memory_space<semaphore_mem>>) src(%dma_wait3A_219 : memref<25600xi32, #tpu.memory_space<hbm>>) dst(%arg6 : memref<25600xi32, #tpu.memory_space<vmem>>)
      tpu.yield
    }) : () -> ()
    %eq3A = arith.constant 0 : i32
    %eq3A_3 = arith.cmpi eq, %arg1, %eq3A : i32
    %convert_element_type3A = arith.extui %eq3A_3 : i1 to i32
    %cond3A = arith.constant 0 : i32
    %cond3A_4 = arith.cmpi ne, %convert_element_type3A, %cond3A : i32
    scf.if %cond3A_4 {
      "tpu.region"() ({
        %run_scoped3A = tpu.sem_alloc : memref<!tpu.dma_semaphore, #tpu.memory_space<semaphore_mem>>
        tpu.enqueue_dma source(%arg3 : memref<16x128xf32, #tpu.memory_space<hbm>>) target(%arg5 : memref<16x128xf32, #tpu.memory_space<vmem_shared>>) target_semaphore(%run_scoped3A : memref<!tpu.dma_semaphore, #tpu.memory_space<semaphore_mem>>)
        tpu.wait_dma2 semaphore(%run_scoped3A : memref<!tpu.dma_semaphore, #tpu.memory_space<semaphore_mem>>) src(%arg3 : memref<16x128xf32, #tpu.memory_space<hbm>>) dst(%arg5 : memref<16x128xf32, #tpu.memory_space<vmem_shared>>)
        tpu.yield
      }) : () -> ()
    } else {
    }
    %barrier3A = arith.constant 0 : index
    tpu.barrier barrier_id(%barrier3A)
    %multiple_of3A_5 = arith.constant 0 : i32
    %multiple_of3A_6 = tpu.assume_multiple %multiple_of3A_5, 8 : i32
    %dma_start3A = arith.constant 0 : i32
    %dma_start3A_7 = arith.constant 0 : i32
    %dma_start3A_8 = arith.constant 0 : i32
    %dma_start3A_9 = arith.constant 0 : i32
    %dma_start3A_10 = tpu.memref_slice %arg7[%dma_start3A, %dma_start3A_8, %dma_start3A_9] : memref<8x80x128xf32, #tpu.memory_space<vmem>> -> memref<1x80x128xf32, #tpu.memory_space<vmem>>
    %dma_start3A_11 = tpu.memref_squeeze %dma_start3A_10 : memref<1x80x128xf32, #tpu.memory_space<vmem>> -> memref<80x128xf32, #tpu.memory_space<vmem>>
    %dma_start3A_12 = tpu.memref_slice %arg6[%multiple_of3A_6] : memref<25600xi32, #tpu.memory_space<vmem>> -> memref<80xi32, #tpu.memory_space<vmem>>
    %dma_start3A_13 = arith.constant 0 : i32
    %dma_start3A_14 = arith.constant 0 : i32
    %dma_start3A_15 = tpu.memref_slice %arg5[%dma_start3A_13, %dma_start3A_14] : memref<16x128xf32, #tpu.memory_space<vmem_shared>> -> memref<16x128xf32, #tpu.memory_space<vmem_shared>>
    %dma_start3A_16 = tpu.memref_slice %arg8[%dma_start3A_7] : memref<8x!tpu.dma_semaphore, #tpu.memory_space<semaphore_mem>> -> memref<1x!tpu.dma_semaphore, #tpu.memory_space<semaphore_mem>>
    %dma_start3A_17 = tpu.memref_squeeze %dma_start3A_16 : memref<1x!tpu.dma_semaphore, #tpu.memory_space<semaphore_mem>> -> memref<!tpu.dma_semaphore, #tpu.memory_space<semaphore_mem>>
    tpu.enqueue_indirect_dma source(%dma_start3A_15 : memref<16x128xf32, #tpu.memory_space<vmem_shared>>) target(%dma_start3A_11 : memref<80x128xf32, #tpu.memory_space<vmem>>) offsets(%dma_start3A_12 : memref<80xi32, #tpu.memory_space<vmem>>) semaphore(%dma_start3A_17 : memref<!tpu.dma_semaphore, #tpu.memory_space<semaphore_mem>>)
    %multiple_of3A_18 = arith.constant 80 : i32
    %multiple_of3A_19 = tpu.assume_multiple %multiple_of3A_18, 8 : i32
    %dma_start3A_20 = arith.constant 1 : i32
    %dma_start3A_21 = arith.constant 1 : i32
    %dma_start3A_22 = arith.constant 0 : i32
    %dma_start3A_23 = arith.constant 0 : i32
    %dma_start3A_24 = tpu.memref_slice %arg7[%dma_start3A_20, %dma_start3A_22, %dma_start3A_23] : memref<8x80x128xf32, #tpu.memory_space<vmem>> -> memref<1x80x128xf32, #tpu.memory_space<vmem>>
    %dma_start3A_25 = tpu.memref_squeeze %dma_start3A_24 : memref<1x80x128xf32, #tpu.memory_space<vmem>> -> memref<80x128xf32, #tpu.memory_space<vmem>>
    %dma_start3A_26 = tpu.memref_slice %arg6[%multiple_of3A_19] : memref<25600xi32, #tpu.memory_space<vmem>> -> memref<80xi32, #tpu.memory_space<vmem>>
    %dma_start3A_27 = arith.constant 0 : i32
    %dma_start3A_28 = arith.constant 0 : i32
    %dma_start3A_29 = tpu.memref_slice %arg5[%dma_start3A_27, %dma_start3A_28] : memref<16x128xf32, #tpu.memory_space<vmem_shared>> -> memref<16x128xf32, #tpu.memory_space<vmem_shared>>
    %dma_start3A_30 = tpu.memref_slice %arg8[%dma_start3A_21] : memref<8x!tpu.dma_semaphore, #tpu.memory_space<semaphore_mem>> -> memref<1x!tpu.dma_semaphore, #tpu.memory_space<semaphore_mem>>
    %dma_start3A_31 = tpu.memref_squeeze %dma_start3A_30 : memref<1x!tpu.dma_semaphore, #tpu.memory_space<semaphore_mem>> -> memref<!tpu.dma_semaphore, #tpu.memory_space<semaphore_mem>>
    tpu.enqueue_indirect_dma source(%dma_start3A_29 : memref<16x128xf32, #tpu.memory_space<vmem_shared>>) target(%dma_start3A_25 : memref<80x128xf32, #tpu.memory_space<vmem>>) offsets(%dma_start3A_26 : memref<80xi32, #tpu.memory_space<vmem>>) semaphore(%dma_start3A_31 : memref<!tpu.dma_semaphore, #tpu.memory_space<semaphore_mem>>)
    %multiple_of3A_32 = arith.constant 160 : i32
    %multiple_of3A_33 = tpu.assume_multiple %multiple_of3A_32, 8 : i32
    %dma_start3A_34 = arith.constant 2 : i32
    %dma_start3A_35 = arith.constant 2 : i32
    %dma_start3A_36 = arith.constant 0 : i32
    %dma_start3A_37 = arith.constant 0 : i32
    %dma_start3A_38 = tpu.memref_slice %arg7[%dma_start3A_34, %dma_start3A_36, %dma_start3A_37] : memref<8x80x128xf32, #tpu.memory_space<vmem>> -> memref<1x80x128xf32, #tpu.memory_space<vmem>>
    %dma_start3A_39 = tpu.memref_squeeze %dma_start3A_38 : memref<1x80x128xf32, #tpu.memory_space<vmem>> -> memref<80x128xf32, #tpu.memory_space<vmem>>
    %dma_start3A_40 = tpu.memref_slice %arg6[%multiple_of3A_33] : memref<25600xi32, #tpu.memory_space<vmem>> -> memref<80xi32, #tpu.memory_space<vmem>>
    %dma_start3A_41 = arith.constant 0 : i32
    %dma_start3A_42 = arith.constant 0 : i32
    %dma_start3A_43 = tpu.memref_slice %arg5[%dma_start3A_41, %dma_start3A_42] : memref<16x128xf32, #tpu.memory_space<vmem_shared>> -> memref<16x128xf32, #tpu.memory_space<vmem_shared>>
    %dma_start3A_44 = tpu.memref_slice %arg8[%dma_start3A_35] : memref<8x!tpu.dma_semaphore, #tpu.memory_space<semaphore_mem>> -> memref<1x!tpu.dma_semaphore, #tpu.memory_space<semaphore_mem>>
    %dma_start3A_45 = tpu.memref_squeeze %dma_start3A_44 : memref<1x!tpu.dma_semaphore, #tpu.memory_space<semaphore_mem>> -> memref<!tpu.dma_semaphore, #tpu.memory_space<semaphore_mem>>
    tpu.enqueue_indirect_dma source(%dma_start3A_43 : memref<16x128xf32, #tpu.memory_space<vmem_shared>>) target(%dma_start3A_39 : memref<80x128xf32, #tpu.memory_space<vmem>>) offsets(%dma_start3A_40 : memref<80xi32, #tpu.memory_space<vmem>>) semaphore(%dma_start3A_45 : memref<!tpu.dma_semaphore, #tpu.memory_space<semaphore_mem>>)
    %multiple_of3A_46 = arith.constant 240 : i32
    %multiple_of3A_47 = tpu.assume_multiple %multiple_of3A_46, 8 : i32
    %dma_start3A_48 = arith.constant 3 : i32
    %dma_start3A_49 = arith.constant 3 : i32
    %dma_start3A_50 = arith.constant 0 : i32
    %dma_start3A_51 = arith.constant 0 : i32
    %dma_start3A_52 = tpu.memref_slice %arg7[%dma_start3A_48, %dma_start3A_50, %dma_start3A_51] : memref<8x80x128xf32, #tpu.memory_space<vmem>> -> memref<1x80x128xf32, #tpu.memory_space<vmem>>
    %dma_start3A_53 = tpu.memref_squeeze %dma_start3A_52 : memref<1x80x128xf32, #tpu.memory_space<vmem>> -> memref<80x128xf32, #tpu.memory_space<vmem>>
    %dma_start3A_54 = tpu.memref_slice %arg6[%multiple_of3A_47] : memref<25600xi32, #tpu.memory_space<vmem>> -> memref<80xi32, #tpu.memory_space<vmem>>
    %dma_start3A_55 = arith.constant 0 : i32
    %dma_start3A_56 = arith.constant 0 : i32
    %dma_start3A_57 = tpu.memref_slice %arg5[%dma_start3A_55, %dma_start3A_56] : memref<16x128xf32, #tpu.memory_space<vmem_shared>> -> memref<16x128xf32, #tpu.memory_space<vmem_shared>>
    %dma_start3A_58 = tpu.memref_slice %arg8[%dma_start3A_49] : memref<8x!tpu.dma_semaphore, #tpu.memory_space<semaphore_mem>> -> memref<1x!tpu.dma_semaphore, #tpu.memory_space<semaphore_mem>>
    %dma_start3A_59 = tpu.memref_squeeze %dma_start3A_58 : memref<1x!tpu.dma_semaphore, #tpu.memory_space<semaphore_mem>> -> memref<!tpu.dma_semaphore, #tpu.memory_space<semaphore_mem>>
    tpu.enqueue_indirect_dma source(%dma_start3A_57 : memref<16x128xf32, #tpu.memory_space<vmem_shared>>) target(%dma_start3A_53 : memref<80x128xf32, #tpu.memory_space<vmem>>) offsets(%dma_start3A_54 : memref<80xi32, #tpu.memory_space<vmem>>) semaphore(%dma_start3A_59 : memref<!tpu.dma_semaphore, #tpu.memory_space<semaphore_mem>>)
    %scan3A = arith.constant 0 : i32
    %scan3A_60 = arith.constant 0 : i32
    %scan3A_61 = arith.constant 40 : i32
    %scan3A_62 = arith.addi %scan3A_60, %scan3A_61 : i32
    %scan3A_63 = arith.constant 1 : i32
    scf.for %scan3A_216 = %scan3A_60 to %scan3A_62 step %scan3A_63  : i32 {
      %mul3A_217 = arith.constant 8 : i32
      %mul3A_218 = arith.muli %scan3A_216, %mul3A_217 : i32
      %add3A_219 = arith.constant 0 : i32
      %add3A_220 = arith.addi %mul3A_218, %add3A_219 : i32
      %mul3A_221 = arith.constant 80 : i32
      %mul3A_222 = arith.muli %add3A_220, %mul3A_221 : i32
      %multiple_of3A_223 = tpu.assume_multiple %mul3A_222, 8 : i32
      %dma_wait3A_224 = arith.constant 0 : i32
      %dma_wait3A_225 = arith.constant 0 : i32
      %dma_wait3A_226 = arith.constant 0 : i32
      %dma_wait3A_227 = arith.constant 0 : i32
      %dma_wait3A_228 = tpu.memref_slice %arg7[%dma_wait3A_224, %dma_wait3A_226, %dma_wait3A_227] : memref<8x80x128xf32, #tpu.memory_space<vmem>> -> memref<1x80x128xf32, #tpu.memory_space<vmem>>
      %dma_wait3A_229 = tpu.memref_squeeze %dma_wait3A_228 : memref<1x80x128xf32, #tpu.memory_space<vmem>> -> memref<80x128xf32, #tpu.memory_space<vmem>>
      %dma_wait3A_230 = tpu.memref_slice %arg6[%multiple_of3A_223] : memref<25600xi32, #tpu.memory_space<vmem>> -> memref<80xi32, #tpu.memory_space<vmem>>
      %dma_wait3A_231 = arith.constant 0 : i32
      %dma_wait3A_232 = arith.constant 0 : i32
      %dma_wait3A_233 = tpu.memref_slice %arg5[%dma_wait3A_231, %dma_wait3A_232] : memref<16x128xf32, #tpu.memory_space<vmem_shared>> -> memref<16x128xf32, #tpu.memory_space<vmem_shared>>
      %dma_wait3A_234 = tpu.memref_slice %arg8[%dma_wait3A_225] : memref<8x!tpu.dma_semaphore, #tpu.memory_space<semaphore_mem>> -> memref<1x!tpu.dma_semaphore, #tpu.memory_space<semaphore_mem>>
      %dma_wait3A_235 = tpu.memref_squeeze %dma_wait3A_234 : memref<1x!tpu.dma_semaphore, #tpu.memory_space<semaphore_mem>> -> memref<!tpu.dma_semaphore, #tpu.memory_space<semaphore_mem>>
      tpu.wait_indirect_dma semaphore(%dma_wait3A_235 : memref<!tpu.dma_semaphore, #tpu.memory_space<semaphore_mem>>) src(%dma_wait3A_233 : memref<16x128xf32, #tpu.memory_space<vmem_shared>>) dst(%dma_wait3A_229 : memref<80x128xf32, #tpu.memory_space<vmem>>)
      %add3A_236 = arith.constant 4 : i32
      %add3A_237 = arith.addi %add3A_220, %add3A_236 : i32
      %lt3A = arith.constant 320 : i32
      %lt3A_238 = arith.cmpi slt, %add3A_237, %lt3A : i32
      %convert_element_type3A_239 = arith.extui %lt3A_238 : i1 to i32
      %cond3A_240 = arith.constant 0 : i32
      %cond3A_241 = arith.cmpi ne, %convert_element_type3A_239, %cond3A_240 : i32
      scf.if %cond3A_241 {
        %ge3A = arith.constant 8 : i32
        %ge3A_584 = arith.cmpi sge, %add3A_237, %ge3A : i32
        %convert_element_type3A_585 = arith.extui %ge3A_584 : i1 to i32
        %cond3A_586 = arith.constant 0 : i32
        %cond3A_587 = arith.cmpi ne, %convert_element_type3A_585, %cond3A_586 : i32
        scf.if %cond3A_587 {
          %sub3A = arith.constant 8 : i32
          %sub3A_603 = arith.subi %add3A_237, %sub3A : i32
          %mul3A_604 = arith.constant 80 : i32
          %mul3A_605 = arith.muli %sub3A_603, %mul3A_604 : i32
          %add3A_606 = arith.addi %multiple_of3A, %mul3A_605 : i32
          %multiple_of3A_607 = tpu.assume_multiple %add3A_606, 8 : i32
          %dma_wait3A_608 = arith.constant 4 : i32
          %dma_wait3A_609 = arith.constant 4 : i32
          %dma_wait3A_610 = arith.constant 0 : i32
          %dma_wait3A_611 = arith.constant 0 : i32
          %dma_wait3A_612 = tpu.memref_slice %arg7[%dma_wait3A_608, %dma_wait3A_610, %dma_wait3A_611] : memref<8x80x128xf32, #tpu.memory_space<vmem>> -> memref<1x80x128xf32, #tpu.memory_space<vmem>>
          %dma_wait3A_613 = tpu.memref_squeeze %dma_wait3A_612 : memref<1x80x128xf32, #tpu.memory_space<vmem>> -> memref<80x128xf32, #tpu.memory_space<vmem>>
          %dma_wait3A_614 = arith.constant 0 : i32
          %dma_wait3A_615 = tpu.memref_slice %arg4[%multiple_of3A_607, %dma_wait3A_614] : memref<819200x128xf32, #tpu.memory_space<hbm>> -> memref<80x128xf32, #tpu.memory_space<hbm>>
          %dma_wait3A_616 = tpu.memref_slice %arg9[%dma_wait3A_609] : memref<8x!tpu.dma_semaphore, #tpu.memory_space<semaphore_mem>> -> memref<1x!tpu.dma_semaphore, #tpu.memory_space<semaphore_mem>>
          %dma_wait3A_617 = tpu.memref_squeeze %dma_wait3A_616 : memref<1x!tpu.dma_semaphore, #tpu.memory_space<semaphore_mem>> -> memref<!tpu.dma_semaphore, #tpu.memory_space<semaphore_mem>>
          %dma_wait3A_618 = arith.constant 0 : i32
          %dma_wait3A_619 = tpu.memref_slice %arg4[%multiple_of3A_607, %dma_wait3A_618] : memref<819200x128xf32, #tpu.memory_space<hbm>> -> memref<80x128xf32, #tpu.memory_space<hbm>>
          %dma_wait3A_620 = arith.constant 0 : i32
          %dma_wait3A_621 = arith.constant 0 : i32
          %dma_wait3A_622 = tpu.memref_slice %arg7[%dma_wait3A_608, %dma_wait3A_620, %dma_wait3A_621] : memref<8x80x128xf32, #tpu.memory_space<vmem>> -> memref<1x80x128xf32, #tpu.memory_space<vmem>>
          %dma_wait3A_623 = tpu.memref_squeeze %dma_wait3A_622 : memref<1x80x128xf32, #tpu.memory_space<vmem>> -> memref<80x128xf32, #tpu.memory_space<vmem>>
          tpu.wait_dma2 semaphore(%dma_wait3A_617 : memref<!tpu.dma_semaphore, #tpu.memory_space<semaphore_mem>>) src(%dma_wait3A_623 : memref<80x128xf32, #tpu.memory_space<vmem>>) dst(%dma_wait3A_619 : memref<80x128xf32, #tpu.memory_space<hbm>>)
        } else {
        }
        %mul3A_588 = arith.constant 80 : i32
        %mul3A_589 = arith.muli %add3A_237, %mul3A_588 : i32
        %multiple_of3A_590 = tpu.assume_multiple %mul3A_589, 8 : i32
        %dma_start3A_591 = arith.constant 4 : i32
        %dma_start3A_592 = arith.constant 4 : i32
        %dma_start3A_593 = arith.constant 0 : i32
        %dma_start3A_594 = arith.constant 0 : i32
        %dma_start3A_595 = tpu.memref_slice %arg7[%dma_start3A_591, %dma_start3A_593, %dma_start3A_594] : memref<8x80x128xf32, #tpu.memory_space<vmem>> -> memref<1x80x128xf32, #tpu.memory_space<vmem>>
        %dma_start3A_596 = tpu.memref_squeeze %dma_start3A_595 : memref<1x80x128xf32, #tpu.memory_space<vmem>> -> memref<80x128xf32, #tpu.memory_space<vmem>>
        %dma_start3A_597 = tpu.memref_slice %arg6[%multiple_of3A_590] : memref<25600xi32, #tpu.memory_space<vmem>> -> memref<80xi32, #tpu.memory_space<vmem>>
        %dma_start3A_598 = arith.constant 0 : i32
        %dma_start3A_599 = arith.constant 0 : i32
        %dma_start3A_600 = tpu.memref_slice %arg5[%dma_start3A_598, %dma_start3A_599] : memref<16x128xf32, #tpu.memory_space<vmem_shared>> -> memref<16x128xf32, #tpu.memory_space<vmem_shared>>
        %dma_start3A_601 = tpu.memref_slice %arg8[%dma_start3A_592] : memref<8x!tpu.dma_semaphore, #tpu.memory_space<semaphore_mem>> -> memref<1x!tpu.dma_semaphore, #tpu.memory_space<semaphore_mem>>
        %dma_start3A_602 = tpu.memref_squeeze %dma_start3A_601 : memref<1x!tpu.dma_semaphore, #tpu.memory_space<semaphore_mem>> -> memref<!tpu.dma_semaphore, #tpu.memory_space<semaphore_mem>>
        tpu.enqueue_indirect_dma source(%dma_start3A_600 : memref<16x128xf32, #tpu.memory_space<vmem_shared>>) target(%dma_start3A_596 : memref<80x128xf32, #tpu.memory_space<vmem>>) offsets(%dma_start3A_597 : memref<80xi32, #tpu.memory_space<vmem>>) semaphore(%dma_start3A_602 : memref<!tpu.dma_semaphore, #tpu.memory_space<semaphore_mem>>)
      } else {
      }
      %mul3A_242 = arith.constant 80 : i32
      %mul3A_243 = arith.muli %add3A_220, %mul3A_242 : i32
      %add3A_244 = arith.addi %multiple_of3A, %mul3A_243 : i32
      %multiple_of3A_245 = tpu.assume_multiple %add3A_244, 8 : i32
      %dma_start3A_246 = arith.constant 0 : i32
      %dma_start3A_247 = arith.constant 0 : i32
      %dma_start3A_248 = arith.constant 0 : i32
      %dma_start3A_249 = arith.constant 0 : i32
      %dma_start3A_250 = tpu.memref_slice %arg7[%dma_start3A_246, %dma_start3A_248, %dma_start3A_249] : memref<8x80x128xf32, #tpu.memory_space<vmem>> -> memref<1x80x128xf32, #tpu.memory_space<vmem>>
      %dma_start3A_251 = tpu.memref_squeeze %dma_start3A_250 : memref<1x80x128xf32, #tpu.memory_space<vmem>> -> memref<80x128xf32, #tpu.memory_space<vmem>>
      %dma_start3A_252 = arith.constant 0 : i32
      %dma_start3A_253 = tpu.memref_slice %arg4[%multiple_of3A_245, %dma_start3A_252] : memref<819200x128xf32, #tpu.memory_space<hbm>> -> memref<80x128xf32, #tpu.memory_space<hbm>>
      %dma_start3A_254 = tpu.memref_slice %arg9[%dma_start3A_247] : memref<8x!tpu.dma_semaphore, #tpu.memory_space<semaphore_mem>> -> memref<1x!tpu.dma_semaphore, #tpu.memory_space<semaphore_mem>>
      %dma_start3A_255 = tpu.memref_squeeze %dma_start3A_254 : memref<1x!tpu.dma_semaphore, #tpu.memory_space<semaphore_mem>> -> memref<!tpu.dma_semaphore, #tpu.memory_space<semaphore_mem>>
      %dma_start3A_256 = arith.constant 0 : i32
      %dma_start3A_257 = tpu.memref_slice %arg4[%multiple_of3A_245, %dma_start3A_256] : memref<819200x128xf32, #tpu.memory_space<hbm>> -> memref<80x128xf32, #tpu.memory_space<hbm>>
      %dma_start3A_258 = arith.constant 0 : i32
      %dma_start3A_259 = arith.constant 0 : i32
      %dma_start3A_260 = tpu.memref_slice %arg7[%dma_start3A_246, %dma_start3A_258, %dma_start3A_259] : memref<8x80x128xf32, #tpu.memory_space<vmem>> -> memref<1x80x128xf32, #tpu.memory_space<vmem>>
      %dma_start3A_261 = tpu.memref_squeeze %dma_start3A_260 : memref<1x80x128xf32, #tpu.memory_space<vmem>> -> memref<80x128xf32, #tpu.memory_space<vmem>>
      tpu.enqueue_dma source(%dma_start3A_261 : memref<80x128xf32, #tpu.memory_space<vmem>>) target(%dma_start3A_257 : memref<80x128xf32, #tpu.memory_space<hbm>>) target_semaphore(%dma_start3A_255 : memref<!tpu.dma_semaphore, #tpu.memory_space<semaphore_mem>>)
      %mul3A_262 = arith.constant 8 : i32
      %mul3A_263 = arith.muli %scan3A_216, %mul3A_262 : i32
      %add3A_264 = arith.constant 1 : i32
      %add3A_265 = arith.addi %mul3A_263, %add3A_264 : i32
      %mul3A_266 = arith.constant 80 : i32
      %mul3A_267 = arith.muli %add3A_265, %mul3A_266 : i32
      %multiple_of3A_268 = tpu.assume_multiple %mul3A_267, 8 : i32
      %dma_wait3A_269 = arith.constant 1 : i32
      %dma_wait3A_270 = arith.constant 1 : i32
      %dma_wait3A_271 = arith.constant 0 : i32
      %dma_wait3A_272 = arith.constant 0 : i32
      %dma_wait3A_273 = tpu.memref_slice %arg7[%dma_wait3A_269, %dma_wait3A_271, %dma_wait3A_272] : memref<8x80x128xf32, #tpu.memory_space<vmem>> -> memref<1x80x128xf32, #tpu.memory_space<vmem>>
      %dma_wait3A_274 = tpu.memref_squeeze %dma_wait3A_273 : memref<1x80x128xf32, #tpu.memory_space<vmem>> -> memref<80x128xf32, #tpu.memory_space<vmem>>
      %dma_wait3A_275 = tpu.memref_slice %arg6[%multiple_of3A_268] : memref<25600xi32, #tpu.memory_space<vmem>> -> memref<80xi32, #tpu.memory_space<vmem>>
      %dma_wait3A_276 = arith.constant 0 : i32
      %dma_wait3A_277 = arith.constant 0 : i32
      %dma_wait3A_278 = tpu.memref_slice %arg5[%dma_wait3A_276, %dma_wait3A_277] : memref<16x128xf32, #tpu.memory_space<vmem_shared>> -> memref<16x128xf32, #tpu.memory_space<vmem_shared>>
      %dma_wait3A_279 = tpu.memref_slice %arg8[%dma_wait3A_270] : memref<8x!tpu.dma_semaphore, #tpu.memory_space<semaphore_mem>> -> memref<1x!tpu.dma_semaphore, #tpu.memory_space<semaphore_mem>>
      %dma_wait3A_280 = tpu.memref_squeeze %dma_wait3A_279 : memref<1x!tpu.dma_semaphore, #tpu.memory_space<semaphore_mem>> -> memref<!tpu.dma_semaphore, #tpu.memory_space<semaphore_mem>>
      tpu.wait_indirect_dma semaphore(%dma_wait3A_280 : memref<!tpu.dma_semaphore, #tpu.memory_space<semaphore_mem>>) src(%dma_wait3A_278 : memref<16x128xf32, #tpu.memory_space<vmem_shared>>) dst(%dma_wait3A_274 : memref<80x128xf32, #tpu.memory_space<vmem>>)
      %add3A_281 = arith.constant 4 : i32
      %add3A_282 = arith.addi %add3A_265, %add3A_281 : i32
      %lt3A_283 = arith.constant 320 : i32
      %lt3A_284 = arith.cmpi slt, %add3A_282, %lt3A_283 : i32
      %convert_element_type3A_285 = arith.extui %lt3A_284 : i1 to i32
      %cond3A_286 = arith.constant 0 : i32
      %cond3A_287 = arith.cmpi ne, %convert_element_type3A_285, %cond3A_286 : i32
      scf.if %cond3A_287 {
        %ge3A = arith.constant 8 : i32
        %ge3A_584 = arith.cmpi sge, %add3A_282, %ge3A : i32
        %convert_element_type3A_585 = arith.extui %ge3A_584 : i1 to i32
        %cond3A_586 = arith.constant 0 : i32
        %cond3A_587 = arith.cmpi ne, %convert_element_type3A_585, %cond3A_586 : i32
        scf.if %cond3A_587 {
          %sub3A = arith.constant 8 : i32
          %sub3A_603 = arith.subi %add3A_282, %sub3A : i32
          %mul3A_604 = arith.constant 80 : i32
          %mul3A_605 = arith.muli %sub3A_603, %mul3A_604 : i32
          %add3A_606 = arith.addi %multiple_of3A, %mul3A_605 : i32
          %multiple_of3A_607 = tpu.assume_multiple %add3A_606, 8 : i32
          %dma_wait3A_608 = arith.constant 5 : i32
          %dma_wait3A_609 = arith.constant 5 : i32
          %dma_wait3A_610 = arith.constant 0 : i32
          %dma_wait3A_611 = arith.constant 0 : i32
          %dma_wait3A_612 = tpu.memref_slice %arg7[%dma_wait3A_608, %dma_wait3A_610, %dma_wait3A_611] : memref<8x80x128xf32, #tpu.memory_space<vmem>> -> memref<1x80x128xf32, #tpu.memory_space<vmem>>
          %dma_wait3A_613 = tpu.memref_squeeze %dma_wait3A_612 : memref<1x80x128xf32, #tpu.memory_space<vmem>> -> memref<80x128xf32, #tpu.memory_space<vmem>>
          %dma_wait3A_614 = arith.constant 0 : i32
          %dma_wait3A_615 = tpu.memref_slice %arg4[%multiple_of3A_607, %dma_wait3A_614] : memref<819200x128xf32, #tpu.memory_space<hbm>> -> memref<80x128xf32, #tpu.memory_space<hbm>>
          %dma_wait3A_616 = tpu.memref_slice %arg9[%dma_wait3A_609] : memref<8x!tpu.dma_semaphore, #tpu.memory_space<semaphore_mem>> -> memref<1x!tpu.dma_semaphore, #tpu.memory_space<semaphore_mem>>
          %dma_wait3A_617 = tpu.memref_squeeze %dma_wait3A_616 : memref<1x!tpu.dma_semaphore, #tpu.memory_space<semaphore_mem>> -> memref<!tpu.dma_semaphore, #tpu.memory_space<semaphore_mem>>
          %dma_wait3A_618 = arith.constant 0 : i32
          %dma_wait3A_619 = tpu.memref_slice %arg4[%multiple_of3A_607, %dma_wait3A_618] : memref<819200x128xf32, #tpu.memory_space<hbm>> -> memref<80x128xf32, #tpu.memory_space<hbm>>
          %dma_wait3A_620 = arith.constant 0 : i32
          %dma_wait3A_621 = arith.constant 0 : i32
          %dma_wait3A_622 = tpu.memref_slice %arg7[%dma_wait3A_608, %dma_wait3A_620, %dma_wait3A_621] : memref<8x80x128xf32, #tpu.memory_space<vmem>> -> memref<1x80x128xf32, #tpu.memory_space<vmem>>
          %dma_wait3A_623 = tpu.memref_squeeze %dma_wait3A_622 : memref<1x80x128xf32, #tpu.memory_space<vmem>> -> memref<80x128xf32, #tpu.memory_space<vmem>>
          tpu.wait_dma2 semaphore(%dma_wait3A_617 : memref<!tpu.dma_semaphore, #tpu.memory_space<semaphore_mem>>) src(%dma_wait3A_623 : memref<80x128xf32, #tpu.memory_space<vmem>>) dst(%dma_wait3A_619 : memref<80x128xf32, #tpu.memory_space<hbm>>)
        } else {
        }
        %mul3A_588 = arith.constant 80 : i32
        %mul3A_589 = arith.muli %add3A_282, %mul3A_588 : i32
        %multiple_of3A_590 = tpu.assume_multiple %mul3A_589, 8 : i32
        %dma_start3A_591 = arith.constant 5 : i32
        %dma_start3A_592 = arith.constant 5 : i32
        %dma_start3A_593 = arith.constant 0 : i32
        %dma_start3A_594 = arith.constant 0 : i32
        %dma_start3A_595 = tpu.memref_slice %arg7[%dma_start3A_591, %dma_start3A_593, %dma_start3A_594] : memref<8x80x128xf32, #tpu.memory_space<vmem>> -> memref<1x80x128xf32, #tpu.memory_space<vmem>>
        %dma_start3A_596 = tpu.memref_squeeze %dma_start3A_595 : memref<1x80x128xf32, #tpu.memory_space<vmem>> -> memref<80x128xf32, #tpu.memory_space<vmem>>
        %dma_start3A_597 = tpu.memref_slice %arg6[%multiple_of3A_590] : memref<25600xi32, #tpu.memory_space<vmem>> -> memref<80xi32, #tpu.memory_space<vmem>>
        %dma_start3A_598 = arith.constant 0 : i32
        %dma_start3A_599 = arith.constant 0 : i32
        %dma_start3A_600 = tpu.memref_slice %arg5[%dma_start3A_598, %dma_start3A_599] : memref<16x128xf32, #tpu.memory_space<vmem_shared>> -> memref<16x128xf32, #tpu.memory_space<vmem_shared>>
        %dma_start3A_601 = tpu.memref_slice %arg8[%dma_start3A_592] : memref<8x!tpu.dma_semaphore, #tpu.memory_space<semaphore_mem>> -> memref<1x!tpu.dma_semaphore, #tpu.memory_space<semaphore_mem>>
        %dma_start3A_602 = tpu.memref_squeeze %dma_start3A_601 : memref<1x!tpu.dma_semaphore, #tpu.memory_space<semaphore_mem>> -> memref<!tpu.dma_semaphore, #tpu.memory_space<semaphore_mem>>
        tpu.enqueue_indirect_dma source(%dma_start3A_600 : memref<16x128xf32, #tpu.memory_space<vmem_shared>>) target(%dma_start3A_596 : memref<80x128xf32, #tpu.memory_space<vmem>>) offsets(%dma_start3A_597 : memref<80xi32, #tpu.memory_space<vmem>>) semaphore(%dma_start3A_602 : memref<!tpu.dma_semaphore, #tpu.memory_space<semaphore_mem>>)
      } else {
      }
      %mul3A_288 = arith.constant 80 : i32
      %mul3A_289 = arith.muli %add3A_265, %mul3A_288 : i32
      %add3A_290 = arith.addi %multiple_of3A, %mul3A_289 : i32
      %multiple_of3A_291 = tpu.assume_multiple %add3A_290, 8 : i32
      %dma_start3A_292 = arith.constant 1 : i32
      %dma_start3A_293 = arith.constant 1 : i32
      %dma_start3A_294 = arith.constant 0 : i32
      %dma_start3A_295 = arith.constant 0 : i32
      %dma_start3A_296 = tpu.memref_slice %arg7[%dma_start3A_292, %dma_start3A_294, %dma_start3A_295] : memref<8x80x128xf32, #tpu.memory_space<vmem>> -> memref<1x80x128xf32, #tpu.memory_space<vmem>>
      %dma_start3A_297 = tpu.memref_squeeze %dma_start3A_296 : memref<1x80x128xf32, #tpu.memory_space<vmem>> -> memref<80x128xf32, #tpu.memory_space<vmem>>
      %dma_start3A_298 = arith.constant 0 : i32
      %dma_start3A_299 = tpu.memref_slice %arg4[%multiple_of3A_291, %dma_start3A_298] : memref<819200x128xf32, #tpu.memory_space<hbm>> -> memref<80x128xf32, #tpu.memory_space<hbm>>
      %dma_start3A_300 = tpu.memref_slice %arg9[%dma_start3A_293] : memref<8x!tpu.dma_semaphore, #tpu.memory_space<semaphore_mem>> -> memref<1x!tpu.dma_semaphore, #tpu.memory_space<semaphore_mem>>
      %dma_start3A_301 = tpu.memref_squeeze %dma_start3A_300 : memref<1x!tpu.dma_semaphore, #tpu.memory_space<semaphore_mem>> -> memref<!tpu.dma_semaphore, #tpu.memory_space<semaphore_mem>>
      %dma_start3A_302 = arith.constant 0 : i32
      %dma_start3A_303 = tpu.memref_slice %arg4[%multiple_of3A_291, %dma_start3A_302] : memref<819200x128xf32, #tpu.memory_space<hbm>> -> memref<80x128xf32, #tpu.memory_space<hbm>>
      %dma_start3A_304 = arith.constant 0 : i32
      %dma_start3A_305 = arith.constant 0 : i32
      %dma_start3A_306 = tpu.memref_slice %arg7[%dma_start3A_292, %dma_start3A_304, %dma_start3A_305] : memref<8x80x128xf32, #tpu.memory_space<vmem>> -> memref<1x80x128xf32, #tpu.memory_space<vmem>>
      %dma_start3A_307 = tpu.memref_squeeze %dma_start3A_306 : memref<1x80x128xf32, #tpu.memory_space<vmem>> -> memref<80x128xf32, #tpu.memory_space<vmem>>
      tpu.enqueue_dma source(%dma_start3A_307 : memref<80x128xf32, #tpu.memory_space<vmem>>) target(%dma_start3A_303 : memref<80x128xf32, #tpu.memory_space<hbm>>) target_semaphore(%dma_start3A_301 : memref<!tpu.dma_semaphore, #tpu.memory_space<semaphore_mem>>)
      %mul3A_308 = arith.constant 8 : i32
      %mul3A_309 = arith.muli %scan3A_216, %mul3A_308 : i32
      %add3A_310 = arith.constant 2 : i32
      %add3A_311 = arith.addi %mul3A_309, %add3A_310 : i32
      %mul3A_312 = arith.constant 80 : i32
      %mul3A_313 = arith.muli %add3A_311, %mul3A_312 : i32
      %multiple_of3A_314 = tpu.assume_multiple %mul3A_313, 8 : i32
      %dma_wait3A_315 = arith.constant 2 : i32
      %dma_wait3A_316 = arith.constant 2 : i32
      %dma_wait3A_317 = arith.constant 0 : i32
      %dma_wait3A_318 = arith.constant 0 : i32
      %dma_wait3A_319 = tpu.memref_slice %arg7[%dma_wait3A_315, %dma_wait3A_317, %dma_wait3A_318] : memref<8x80x128xf32, #tpu.memory_space<vmem>> -> memref<1x80x128xf32, #tpu.memory_space<vmem>>
      %dma_wait3A_320 = tpu.memref_squeeze %dma_wait3A_319 : memref<1x80x128xf32, #tpu.memory_space<vmem>> -> memref<80x128xf32, #tpu.memory_space<vmem>>
      %dma_wait3A_321 = tpu.memref_slice %arg6[%multiple_of3A_314] : memref<25600xi32, #tpu.memory_space<vmem>> -> memref<80xi32, #tpu.memory_space<vmem>>
      %dma_wait3A_322 = arith.constant 0 : i32
      %dma_wait3A_323 = arith.constant 0 : i32
      %dma_wait3A_324 = tpu.memref_slice %arg5[%dma_wait3A_322, %dma_wait3A_323] : memref<16x128xf32, #tpu.memory_space<vmem_shared>> -> memref<16x128xf32, #tpu.memory_space<vmem_shared>>
      %dma_wait3A_325 = tpu.memref_slice %arg8[%dma_wait3A_316] : memref<8x!tpu.dma_semaphore, #tpu.memory_space<semaphore_mem>> -> memref<1x!tpu.dma_semaphore, #tpu.memory_space<semaphore_mem>>
      %dma_wait3A_326 = tpu.memref_squeeze %dma_wait3A_325 : memref<1x!tpu.dma_semaphore, #tpu.memory_space<semaphore_mem>> -> memref<!tpu.dma_semaphore, #tpu.memory_space<semaphore_mem>>
      tpu.wait_indirect_dma semaphore(%dma_wait3A_326 : memref<!tpu.dma_semaphore, #tpu.memory_space<semaphore_mem>>) src(%dma_wait3A_324 : memref<16x128xf32, #tpu.memory_space<vmem_shared>>) dst(%dma_wait3A_320 : memref<80x128xf32, #tpu.memory_space<vmem>>)
      %add3A_327 = arith.constant 4 : i32
      %add3A_328 = arith.addi %add3A_311, %add3A_327 : i32
      %lt3A_329 = arith.constant 320 : i32
      %lt3A_330 = arith.cmpi slt, %add3A_328, %lt3A_329 : i32
      %convert_element_type3A_331 = arith.extui %lt3A_330 : i1 to i32
      %cond3A_332 = arith.constant 0 : i32
      %cond3A_333 = arith.cmpi ne, %convert_element_type3A_331, %cond3A_332 : i32
      scf.if %cond3A_333 {
        %ge3A = arith.constant 8 : i32
        %ge3A_584 = arith.cmpi sge, %add3A_328, %ge3A : i32
        %convert_element_type3A_585 = arith.extui %ge3A_584 : i1 to i32
        %cond3A_586 = arith.constant 0 : i32
        %cond3A_587 = arith.cmpi ne, %convert_element_type3A_585, %cond3A_586 : i32
        scf.if %cond3A_587 {
          %sub3A = arith.constant 8 : i32
          %sub3A_603 = arith.subi %add3A_328, %sub3A : i32
          %mul3A_604 = arith.constant 80 : i32
          %mul3A_605 = arith.muli %sub3A_603, %mul3A_604 : i32
          %add3A_606 = arith.addi %multiple_of3A, %mul3A_605 : i32
          %multiple_of3A_607 = tpu.assume_multiple %add3A_606, 8 : i32
          %dma_wait3A_608 = arith.constant 6 : i32
          %dma_wait3A_609 = arith.constant 6 : i32
          %dma_wait3A_610 = arith.constant 0 : i32
          %dma_wait3A_611 = arith.constant 0 : i32
          %dma_wait3A_612 = tpu.memref_slice %arg7[%dma_wait3A_608, %dma_wait3A_610, %dma_wait3A_611] : memref<8x80x128xf32, #tpu.memory_space<vmem>> -> memref<1x80x128xf32, #tpu.memory_space<vmem>>
          %dma_wait3A_613 = tpu.memref_squeeze %dma_wait3A_612 : memref<1x80x128xf32, #tpu.memory_space<vmem>> -> memref<80x128xf32, #tpu.memory_space<vmem>>
          %dma_wait3A_614 = arith.constant 0 : i32
          %dma_wait3A_615 = tpu.memref_slice %arg4[%multiple_of3A_607, %dma_wait3A_614] : memref<819200x128xf32, #tpu.memory_space<hbm>> -> memref<80x128xf32, #tpu.memory_space<hbm>>
          %dma_wait3A_616 = tpu.memref_slice %arg9[%dma_wait3A_609] : memref<8x!tpu.dma_semaphore, #tpu.memory_space<semaphore_mem>> -> memref<1x!tpu.dma_semaphore, #tpu.memory_space<semaphore_mem>>
          %dma_wait3A_617 = tpu.memref_squeeze %dma_wait3A_616 : memref<1x!tpu.dma_semaphore, #tpu.memory_space<semaphore_mem>> -> memref<!tpu.dma_semaphore, #tpu.memory_space<semaphore_mem>>
          %dma_wait3A_618 = arith.constant 0 : i32
          %dma_wait3A_619 = tpu.memref_slice %arg4[%multiple_of3A_607, %dma_wait3A_618] : memref<819200x128xf32, #tpu.memory_space<hbm>> -> memref<80x128xf32, #tpu.memory_space<hbm>>
          %dma_wait3A_620 = arith.constant 0 : i32
          %dma_wait3A_621 = arith.constant 0 : i32
          %dma_wait3A_622 = tpu.memref_slice %arg7[%dma_wait3A_608, %dma_wait3A_620, %dma_wait3A_621] : memref<8x80x128xf32, #tpu.memory_space<vmem>> -> memref<1x80x128xf32, #tpu.memory_space<vmem>>
          %dma_wait3A_623 = tpu.memref_squeeze %dma_wait3A_622 : memref<1x80x128xf32, #tpu.memory_space<vmem>> -> memref<80x128xf32, #tpu.memory_space<vmem>>
          tpu.wait_dma2 semaphore(%dma_wait3A_617 : memref<!tpu.dma_semaphore, #tpu.memory_space<semaphore_mem>>) src(%dma_wait3A_623 : memref<80x128xf32, #tpu.memory_space<vmem>>) dst(%dma_wait3A_619 : memref<80x128xf32, #tpu.memory_space<hbm>>)
        } else {
        }
        %mul3A_588 = arith.constant 80 : i32
        %mul3A_589 = arith.muli %add3A_328, %mul3A_588 : i32
        %multiple_of3A_590 = tpu.assume_multiple %mul3A_589, 8 : i32
        %dma_start3A_591 = arith.constant 6 : i32
        %dma_start3A_592 = arith.constant 6 : i32
        %dma_start3A_593 = arith.constant 0 : i32
        %dma_start3A_594 = arith.constant 0 : i32
        %dma_start3A_595 = tpu.memref_slice %arg7[%dma_start3A_591, %dma_start3A_593, %dma_start3A_594] : memref<8x80x128xf32, #tpu.memory_space<vmem>> -> memref<1x80x128xf32, #tpu.memory_space<vmem>>
        %dma_start3A_596 = tpu.memref_squeeze %dma_start3A_595 : memref<1x80x128xf32, #tpu.memory_space<vmem>> -> memref<80x128xf32, #tpu.memory_space<vmem>>
        %dma_start3A_597 = tpu.memref_slice %arg6[%multiple_of3A_590] : memref<25600xi32, #tpu.memory_space<vmem>> -> memref<80xi32, #tpu.memory_space<vmem>>
        %dma_start3A_598 = arith.constant 0 : i32
        %dma_start3A_599 = arith.constant 0 : i32
        %dma_start3A_600 = tpu.memref_slice %arg5[%dma_start3A_598, %dma_start3A_599] : memref<16x128xf32, #tpu.memory_space<vmem_shared>> -> memref<16x128xf32, #tpu.memory_space<vmem_shared>>
        %dma_start3A_601 = tpu.memref_slice %arg8[%dma_start3A_592] : memref<8x!tpu.dma_semaphore, #tpu.memory_space<semaphore_mem>> -> memref<1x!tpu.dma_semaphore, #tpu.memory_space<semaphore_mem>>
        %dma_start3A_602 = tpu.memref_squeeze %dma_start3A_601 : memref<1x!tpu.dma_semaphore, #tpu.memory_space<semaphore_mem>> -> memref<!tpu.dma_semaphore, #tpu.memory_space<semaphore_mem>>
        tpu.enqueue_indirect_dma source(%dma_start3A_600 : memref<16x128xf32, #tpu.memory_space<vmem_shared>>) target(%dma_start3A_596 : memref<80x128xf32, #tpu.memory_space<vmem>>) offsets(%dma_start3A_597 : memref<80xi32, #tpu.memory_space<vmem>>) semaphore(%dma_start3A_602 : memref<!tpu.dma_semaphore, #tpu.memory_space<semaphore_mem>>)
      } else {
      }
      %mul3A_334 = arith.constant 80 : i32
      %mul3A_335 = arith.muli %add3A_311, %mul3A_334 : i32
      %add3A_336 = arith.addi %multiple_of3A, %mul3A_335 : i32
      %multiple_of3A_337 = tpu.assume_multiple %add3A_336, 8 : i32
      %dma_start3A_338 = arith.constant 2 : i32
      %dma_start3A_339 = arith.constant 2 : i32
      %dma_start3A_340 = arith.constant 0 : i32
      %dma_start3A_341 = arith.constant 0 : i32
      %dma_start3A_342 = tpu.memref_slice %arg7[%dma_start3A_338, %dma_start3A_340, %dma_start3A_341] : memref<8x80x128xf32, #tpu.memory_space<vmem>> -> memref<1x80x128xf32, #tpu.memory_space<vmem>>
      %dma_start3A_343 = tpu.memref_squeeze %dma_start3A_342 : memref<1x80x128xf32, #tpu.memory_space<vmem>> -> memref<80x128xf32, #tpu.memory_space<vmem>>
      %dma_start3A_344 = arith.constant 0 : i32
      %dma_start3A_345 = tpu.memref_slice %arg4[%multiple_of3A_337, %dma_start3A_344] : memref<819200x128xf32, #tpu.memory_space<hbm>> -> memref<80x128xf32, #tpu.memory_space<hbm>>
      %dma_start3A_346 = tpu.memref_slice %arg9[%dma_start3A_339] : memref<8x!tpu.dma_semaphore, #tpu.memory_space<semaphore_mem>> -> memref<1x!tpu.dma_semaphore, #tpu.memory_space<semaphore_mem>>
      %dma_start3A_347 = tpu.memref_squeeze %dma_start3A_346 : memref<1x!tpu.dma_semaphore, #tpu.memory_space<semaphore_mem>> -> memref<!tpu.dma_semaphore, #tpu.memory_space<semaphore_mem>>
      %dma_start3A_348 = arith.constant 0 : i32
      %dma_start3A_349 = tpu.memref_slice %arg4[%multiple_of3A_337, %dma_start3A_348] : memref<819200x128xf32, #tpu.memory_space<hbm>> -> memref<80x128xf32, #tpu.memory_space<hbm>>
      %dma_start3A_350 = arith.constant 0 : i32
      %dma_start3A_351 = arith.constant 0 : i32
      %dma_start3A_352 = tpu.memref_slice %arg7[%dma_start3A_338, %dma_start3A_350, %dma_start3A_351] : memref<8x80x128xf32, #tpu.memory_space<vmem>> -> memref<1x80x128xf32, #tpu.memory_space<vmem>>
      %dma_start3A_353 = tpu.memref_squeeze %dma_start3A_352 : memref<1x80x128xf32, #tpu.memory_space<vmem>> -> memref<80x128xf32, #tpu.memory_space<vmem>>
      tpu.enqueue_dma source(%dma_start3A_353 : memref<80x128xf32, #tpu.memory_space<vmem>>) target(%dma_start3A_349 : memref<80x128xf32, #tpu.memory_space<hbm>>) target_semaphore(%dma_start3A_347 : memref<!tpu.dma_semaphore, #tpu.memory_space<semaphore_mem>>)
      %mul3A_354 = arith.constant 8 : i32
      %mul3A_355 = arith.muli %scan3A_216, %mul3A_354 : i32
      %add3A_356 = arith.constant 3 : i32
      %add3A_357 = arith.addi %mul3A_355, %add3A_356 : i32
      %mul3A_358 = arith.constant 80 : i32
      %mul3A_359 = arith.muli %add3A_357, %mul3A_358 : i32
      %multiple_of3A_360 = tpu.assume_multiple %mul3A_359, 8 : i32
      %dma_wait3A_361 = arith.constant 3 : i32
      %dma_wait3A_362 = arith.constant 3 : i32
      %dma_wait3A_363 = arith.constant 0 : i32
      %dma_wait3A_364 = arith.constant 0 : i32
      %dma_wait3A_365 = tpu.memref_slice %arg7[%dma_wait3A_361, %dma_wait3A_363, %dma_wait3A_364] : memref<8x80x128xf32, #tpu.memory_space<vmem>> -> memref<1x80x128xf32, #tpu.memory_space<vmem>>
      %dma_wait3A_366 = tpu.memref_squeeze %dma_wait3A_365 : memref<1x80x128xf32, #tpu.memory_space<vmem>> -> memref<80x128xf32, #tpu.memory_space<vmem>>
      %dma_wait3A_367 = tpu.memref_slice %arg6[%multiple_of3A_360] : memref<25600xi32, #tpu.memory_space<vmem>> -> memref<80xi32, #tpu.memory_space<vmem>>
      %dma_wait3A_368 = arith.constant 0 : i32
      %dma_wait3A_369 = arith.constant 0 : i32
      %dma_wait3A_370 = tpu.memref_slice %arg5[%dma_wait3A_368, %dma_wait3A_369] : memref<16x128xf32, #tpu.memory_space<vmem_shared>> -> memref<16x128xf32, #tpu.memory_space<vmem_shared>>
      %dma_wait3A_371 = tpu.memref_slice %arg8[%dma_wait3A_362] : memref<8x!tpu.dma_semaphore, #tpu.memory_space<semaphore_mem>> -> memref<1x!tpu.dma_semaphore, #tpu.memory_space<semaphore_mem>>
      %dma_wait3A_372 = tpu.memref_squeeze %dma_wait3A_371 : memref<1x!tpu.dma_semaphore, #tpu.memory_space<semaphore_mem>> -> memref<!tpu.dma_semaphore, #tpu.memory_space<semaphore_mem>>
      tpu.wait_indirect_dma semaphore(%dma_wait3A_372 : memref<!tpu.dma_semaphore, #tpu.memory_space<semaphore_mem>>) src(%dma_wait3A_370 : memref<16x128xf32, #tpu.memory_space<vmem_shared>>) dst(%dma_wait3A_366 : memref<80x128xf32, #tpu.memory_space<vmem>>)
      %add3A_373 = arith.constant 4 : i32
      %add3A_374 = arith.addi %add3A_357, %add3A_373 : i32
      %lt3A_375 = arith.constant 320 : i32
      %lt3A_376 = arith.cmpi slt, %add3A_374, %lt3A_375 : i32
      %convert_element_type3A_377 = arith.extui %lt3A_376 : i1 to i32
      %cond3A_378 = arith.constant 0 : i32
      %cond3A_379 = arith.cmpi ne, %convert_element_type3A_377, %cond3A_378 : i32
      scf.if %cond3A_379 {
        %ge3A = arith.constant 8 : i32
        %ge3A_584 = arith.cmpi sge, %add3A_374, %ge3A : i32
        %convert_element_type3A_585 = arith.extui %ge3A_584 : i1 to i32
        %cond3A_586 = arith.constant 0 : i32
        %cond3A_587 = arith.cmpi ne, %convert_element_type3A_585, %cond3A_586 : i32
        scf.if %cond3A_587 {
          %sub3A = arith.constant 8 : i32
          %sub3A_603 = arith.subi %add3A_374, %sub3A : i32
          %mul3A_604 = arith.constant 80 : i32
          %mul3A_605 = arith.muli %sub3A_603, %mul3A_604 : i32
          %add3A_606 = arith.addi %multiple_of3A, %mul3A_605 : i32
          %multiple_of3A_607 = tpu.assume_multiple %add3A_606, 8 : i32
          %dma_wait3A_608 = arith.constant 7 : i32
          %dma_wait3A_609 = arith.constant 7 : i32
          %dma_wait3A_610 = arith.constant 0 : i32
          %dma_wait3A_611 = arith.constant 0 : i32
          %dma_wait3A_612 = tpu.memref_slice %arg7[%dma_wait3A_608, %dma_wait3A_610, %dma_wait3A_611] : memref<8x80x128xf32, #tpu.memory_space<vmem>> -> memref<1x80x128xf32, #tpu.memory_space<vmem>>
          %dma_wait3A_613 = tpu.memref_squeeze %dma_wait3A_612 : memref<1x80x128xf32, #tpu.memory_space<vmem>> -> memref<80x128xf32, #tpu.memory_space<vmem>>
          %dma_wait3A_614 = arith.constant 0 : i32
          %dma_wait3A_615 = tpu.memref_slice %arg4[%multiple_of3A_607, %dma_wait3A_614] : memref<819200x128xf32, #tpu.memory_space<hbm>> -> memref<80x128xf32, #tpu.memory_space<hbm>>
          %dma_wait3A_616 = tpu.memref_slice %arg9[%dma_wait3A_609] : memref<8x!tpu.dma_semaphore, #tpu.memory_space<semaphore_mem>> -> memref<1x!tpu.dma_semaphore, #tpu.memory_space<semaphore_mem>>
          %dma_wait3A_617 = tpu.memref_squeeze %dma_wait3A_616 : memref<1x!tpu.dma_semaphore, #tpu.memory_space<semaphore_mem>> -> memref<!tpu.dma_semaphore, #tpu.memory_space<semaphore_mem>>
          %dma_wait3A_618 = arith.constant 0 : i32
          %dma_wait3A_619 = tpu.memref_slice %arg4[%multiple_of3A_607, %dma_wait3A_618] : memref<819200x128xf32, #tpu.memory_space<hbm>> -> memref<80x128xf32, #tpu.memory_space<hbm>>
          %dma_wait3A_620 = arith.constant 0 : i32
          %dma_wait3A_621 = arith.constant 0 : i32
          %dma_wait3A_622 = tpu.memref_slice %arg7[%dma_wait3A_608, %dma_wait3A_620, %dma_wait3A_621] : memref<8x80x128xf32, #tpu.memory_space<vmem>> -> memref<1x80x128xf32, #tpu.memory_space<vmem>>
          %dma_wait3A_623 = tpu.memref_squeeze %dma_wait3A_622 : memref<1x80x128xf32, #tpu.memory_space<vmem>> -> memref<80x128xf32, #tpu.memory_space<vmem>>
          tpu.wait_dma2 semaphore(%dma_wait3A_617 : memref<!tpu.dma_semaphore, #tpu.memory_space<semaphore_mem>>) src(%dma_wait3A_623 : memref<80x128xf32, #tpu.memory_space<vmem>>) dst(%dma_wait3A_619 : memref<80x128xf32, #tpu.memory_space<hbm>>)
        } else {
        }
        %mul3A_588 = arith.constant 80 : i32
        %mul3A_589 = arith.muli %add3A_374, %mul3A_588 : i32
        %multiple_of3A_590 = tpu.assume_multiple %mul3A_589, 8 : i32
        %dma_start3A_591 = arith.constant 7 : i32
        %dma_start3A_592 = arith.constant 7 : i32
        %dma_start3A_593 = arith.constant 0 : i32
        %dma_start3A_594 = arith.constant 0 : i32
        %dma_start3A_595 = tpu.memref_slice %arg7[%dma_start3A_591, %dma_start3A_593, %dma_start3A_594] : memref<8x80x128xf32, #tpu.memory_space<vmem>> -> memref<1x80x128xf32, #tpu.memory_space<vmem>>
        %dma_start3A_596 = tpu.memref_squeeze %dma_start3A_595 : memref<1x80x128xf32, #tpu.memory_space<vmem>> -> memref<80x128xf32, #tpu.memory_space<vmem>>
        %dma_start3A_597 = tpu.memref_slice %arg6[%multiple_of3A_590] : memref<25600xi32, #tpu.memory_space<vmem>> -> memref<80xi32, #tpu.memory_space<vmem>>
        %dma_start3A_598 = arith.constant 0 : i32
        %dma_start3A_599 = arith.constant 0 : i32
        %dma_start3A_600 = tpu.memref_slice %arg5[%dma_start3A_598, %dma_start3A_599] : memref<16x128xf32, #tpu.memory_space<vmem_shared>> -> memref<16x128xf32, #tpu.memory_space<vmem_shared>>
        %dma_start3A_601 = tpu.memref_slice %arg8[%dma_start3A_592] : memref<8x!tpu.dma_semaphore, #tpu.memory_space<semaphore_mem>> -> memref<1x!tpu.dma_semaphore, #tpu.memory_space<semaphore_mem>>
        %dma_start3A_602 = tpu.memref_squeeze %dma_start3A_601 : memref<1x!tpu.dma_semaphore, #tpu.memory_space<semaphore_mem>> -> memref<!tpu.dma_semaphore, #tpu.memory_space<semaphore_mem>>
        tpu.enqueue_indirect_dma source(%dma_start3A_600 : memref<16x128xf32, #tpu.memory_space<vmem_shared>>) target(%dma_start3A_596 : memref<80x128xf32, #tpu.memory_space<vmem>>) offsets(%dma_start3A_597 : memref<80xi32, #tpu.memory_space<vmem>>) semaphore(%dma_start3A_602 : memref<!tpu.dma_semaphore, #tpu.memory_space<semaphore_mem>>)
      } else {
      }
      %mul3A_380 = arith.constant 80 : i32
      %mul3A_381 = arith.muli %add3A_357, %mul3A_380 : i32
      %add3A_382 = arith.addi %multiple_of3A, %mul3A_381 : i32
      %multiple_of3A_383 = tpu.assume_multiple %add3A_382, 8 : i32
      %dma_start3A_384 = arith.constant 3 : i32
      %dma_start3A_385 = arith.constant 3 : i32
      %dma_start3A_386 = arith.constant 0 : i32
      %dma_start3A_387 = arith.constant 0 : i32
      %dma_start3A_388 = tpu.memref_slice %arg7[%dma_start3A_384, %dma_start3A_386, %dma_start3A_387] : memref<8x80x128xf32, #tpu.memory_space<vmem>> -> memref<1x80x128xf32, #tpu.memory_space<vmem>>
      %dma_start3A_389 = tpu.memref_squeeze %dma_start3A_388 : memref<1x80x128xf32, #tpu.memory_space<vmem>> -> memref<80x128xf32, #tpu.memory_space<vmem>>
      %dma_start3A_390 = arith.constant 0 : i32
      %dma_start3A_391 = tpu.memref_slice %arg4[%multiple_of3A_383, %dma_start3A_390] : memref<819200x128xf32, #tpu.memory_space<hbm>> -> memref<80x128xf32, #tpu.memory_space<hbm>>
      %dma_start3A_392 = tpu.memref_slice %arg9[%dma_start3A_385] : memref<8x!tpu.dma_semaphore, #tpu.memory_space<semaphore_mem>> -> memref<1x!tpu.dma_semaphore, #tpu.memory_space<semaphore_mem>>
      %dma_start3A_393 = tpu.memref_squeeze %dma_start3A_392 : memref<1x!tpu.dma_semaphore, #tpu.memory_space<semaphore_mem>> -> memref<!tpu.dma_semaphore, #tpu.memory_space<semaphore_mem>>
      %dma_start3A_394 = arith.constant 0 : i32
      %dma_start3A_395 = tpu.memref_slice %arg4[%multiple_of3A_383, %dma_start3A_394] : memref<819200x128xf32, #tpu.memory_space<hbm>> -> memref<80x128xf32, #tpu.memory_space<hbm>>
      %dma_start3A_396 = arith.constant 0 : i32
      %dma_start3A_397 = arith.constant 0 : i32
      %dma_start3A_398 = tpu.memref_slice %arg7[%dma_start3A_384, %dma_start3A_396, %dma_start3A_397] : memref<8x80x128xf32, #tpu.memory_space<vmem>> -> memref<1x80x128xf32, #tpu.memory_space<vmem>>
      %dma_start3A_399 = tpu.memref_squeeze %dma_start3A_398 : memref<1x80x128xf32, #tpu.memory_space<vmem>> -> memref<80x128xf32, #tpu.memory_space<vmem>>
      tpu.enqueue_dma source(%dma_start3A_399 : memref<80x128xf32, #tpu.memory_space<vmem>>) target(%dma_start3A_395 : memref<80x128xf32, #tpu.memory_space<hbm>>) target_semaphore(%dma_start3A_393 : memref<!tpu.dma_semaphore, #tpu.memory_space<semaphore_mem>>)
      %mul3A_400 = arith.constant 8 : i32
      %mul3A_401 = arith.muli %scan3A_216, %mul3A_400 : i32
      %add3A_402 = arith.constant 4 : i32
      %add3A_403 = arith.addi %mul3A_401, %add3A_402 : i32
      %mul3A_404 = arith.constant 80 : i32
      %mul3A_405 = arith.muli %add3A_403, %mul3A_404 : i32
      %multiple_of3A_406 = tpu.assume_multiple %mul3A_405, 8 : i32
      %dma_wait3A_407 = arith.constant 4 : i32
      %dma_wait3A_408 = arith.constant 4 : i32
      %dma_wait3A_409 = arith.constant 0 : i32
      %dma_wait3A_410 = arith.constant 0 : i32
      %dma_wait3A_411 = tpu.memref_slice %arg7[%dma_wait3A_407, %dma_wait3A_409, %dma_wait3A_410] : memref<8x80x128xf32, #tpu.memory_space<vmem>> -> memref<1x80x128xf32, #tpu.memory_space<vmem>>
      %dma_wait3A_412 = tpu.memref_squeeze %dma_wait3A_411 : memref<1x80x128xf32, #tpu.memory_space<vmem>> -> memref<80x128xf32, #tpu.memory_space<vmem>>
      %dma_wait3A_413 = tpu.memref_slice %arg6[%multiple_of3A_406] : memref<25600xi32, #tpu.memory_space<vmem>> -> memref<80xi32, #tpu.memory_space<vmem>>
      %dma_wait3A_414 = arith.constant 0 : i32
      %dma_wait3A_415 = arith.constant 0 : i32
      %dma_wait3A_416 = tpu.memref_slice %arg5[%dma_wait3A_414, %dma_wait3A_415] : memref<16x128xf32, #tpu.memory_space<vmem_shared>> -> memref<16x128xf32, #tpu.memory_space<vmem_shared>>
      %dma_wait3A_417 = tpu.memref_slice %arg8[%dma_wait3A_408] : memref<8x!tpu.dma_semaphore, #tpu.memory_space<semaphore_mem>> -> memref<1x!tpu.dma_semaphore, #tpu.memory_space<semaphore_mem>>
      %dma_wait3A_418 = tpu.memref_squeeze %dma_wait3A_417 : memref<1x!tpu.dma_semaphore, #tpu.memory_space<semaphore_mem>> -> memref<!tpu.dma_semaphore, #tpu.memory_space<semaphore_mem>>
      tpu.wait_indirect_dma semaphore(%dma_wait3A_418 : memref<!tpu.dma_semaphore, #tpu.memory_space<semaphore_mem>>) src(%dma_wait3A_416 : memref<16x128xf32, #tpu.memory_space<vmem_shared>>) dst(%dma_wait3A_412 : memref<80x128xf32, #tpu.memory_space<vmem>>)
      %add3A_419 = arith.constant 4 : i32
      %add3A_420 = arith.addi %add3A_403, %add3A_419 : i32
      %lt3A_421 = arith.constant 320 : i32
      %lt3A_422 = arith.cmpi slt, %add3A_420, %lt3A_421 : i32
      %convert_element_type3A_423 = arith.extui %lt3A_422 : i1 to i32
      %cond3A_424 = arith.constant 0 : i32
      %cond3A_425 = arith.cmpi ne, %convert_element_type3A_423, %cond3A_424 : i32
      scf.if %cond3A_425 {
        %ge3A = arith.constant 8 : i32
        %ge3A_584 = arith.cmpi sge, %add3A_420, %ge3A : i32
        %convert_element_type3A_585 = arith.extui %ge3A_584 : i1 to i32
        %cond3A_586 = arith.constant 0 : i32
        %cond3A_587 = arith.cmpi ne, %convert_element_type3A_585, %cond3A_586 : i32
        scf.if %cond3A_587 {
          %sub3A = arith.constant 8 : i32
          %sub3A_603 = arith.subi %add3A_420, %sub3A : i32
          %mul3A_604 = arith.constant 80 : i32
          %mul3A_605 = arith.muli %sub3A_603, %mul3A_604 : i32
          %add3A_606 = arith.addi %multiple_of3A, %mul3A_605 : i32
          %multiple_of3A_607 = tpu.assume_multiple %add3A_606, 8 : i32
          %dma_wait3A_608 = arith.constant 0 : i32
          %dma_wait3A_609 = arith.constant 0 : i32
          %dma_wait3A_610 = arith.constant 0 : i32
          %dma_wait3A_611 = arith.constant 0 : i32
          %dma_wait3A_612 = tpu.memref_slice %arg7[%dma_wait3A_608, %dma_wait3A_610, %dma_wait3A_611] : memref<8x80x128xf32, #tpu.memory_space<vmem>> -> memref<1x80x128xf32, #tpu.memory_space<vmem>>
          %dma_wait3A_613 = tpu.memref_squeeze %dma_wait3A_612 : memref<1x80x128xf32, #tpu.memory_space<vmem>> -> memref<80x128xf32, #tpu.memory_space<vmem>>
          %dma_wait3A_614 = arith.constant 0 : i32
          %dma_wait3A_615 = tpu.memref_slice %arg4[%multiple_of3A_607, %dma_wait3A_614] : memref<819200x128xf32, #tpu.memory_space<hbm>> -> memref<80x128xf32, #tpu.memory_space<hbm>>
          %dma_wait3A_616 = tpu.memref_slice %arg9[%dma_wait3A_609] : memref<8x!tpu.dma_semaphore, #tpu.memory_space<semaphore_mem>> -> memref<1x!tpu.dma_semaphore, #tpu.memory_space<semaphore_mem>>
          %dma_wait3A_617 = tpu.memref_squeeze %dma_wait3A_616 : memref<1x!tpu.dma_semaphore, #tpu.memory_space<semaphore_mem>> -> memref<!tpu.dma_semaphore, #tpu.memory_space<semaphore_mem>>
          %dma_wait3A_618 = arith.constant 0 : i32
          %dma_wait3A_619 = tpu.memref_slice %arg4[%multiple_of3A_607, %dma_wait3A_618] : memref<819200x128xf32, #tpu.memory_space<hbm>> -> memref<80x128xf32, #tpu.memory_space<hbm>>
          %dma_wait3A_620 = arith.constant 0 : i32
          %dma_wait3A_621 = arith.constant 0 : i32
          %dma_wait3A_622 = tpu.memref_slice %arg7[%dma_wait3A_608, %dma_wait3A_620, %dma_wait3A_621] : memref<8x80x128xf32, #tpu.memory_space<vmem>> -> memref<1x80x128xf32, #tpu.memory_space<vmem>>
          %dma_wait3A_623 = tpu.memref_squeeze %dma_wait3A_622 : memref<1x80x128xf32, #tpu.memory_space<vmem>> -> memref<80x128xf32, #tpu.memory_space<vmem>>
          tpu.wait_dma2 semaphore(%dma_wait3A_617 : memref<!tpu.dma_semaphore, #tpu.memory_space<semaphore_mem>>) src(%dma_wait3A_623 : memref<80x128xf32, #tpu.memory_space<vmem>>) dst(%dma_wait3A_619 : memref<80x128xf32, #tpu.memory_space<hbm>>)
        } else {
        }
        %mul3A_588 = arith.constant 80 : i32
        %mul3A_589 = arith.muli %add3A_420, %mul3A_588 : i32
        %multiple_of3A_590 = tpu.assume_multiple %mul3A_589, 8 : i32
        %dma_start3A_591 = arith.constant 0 : i32
        %dma_start3A_592 = arith.constant 0 : i32
        %dma_start3A_593 = arith.constant 0 : i32
        %dma_start3A_594 = arith.constant 0 : i32
        %dma_start3A_595 = tpu.memref_slice %arg7[%dma_start3A_591, %dma_start3A_593, %dma_start3A_594] : memref<8x80x128xf32, #tpu.memory_space<vmem>> -> memref<1x80x128xf32, #tpu.memory_space<vmem>>
        %dma_start3A_596 = tpu.memref_squeeze %dma_start3A_595 : memref<1x80x128xf32, #tpu.memory_space<vmem>> -> memref<80x128xf32, #tpu.memory_space<vmem>>
        %dma_start3A_597 = tpu.memref_slice %arg6[%multiple_of3A_590] : memref<25600xi32, #tpu.memory_space<vmem>> -> memref<80xi32, #tpu.memory_space<vmem>>
        %dma_start3A_598 = arith.constant 0 : i32
        %dma_start3A_599 = arith.constant 0 : i32
        %dma_start3A_600 = tpu.memref_slice %arg5[%dma_start3A_598, %dma_start3A_599] : memref<16x128xf32, #tpu.memory_space<vmem_shared>> -> memref<16x128xf32, #tpu.memory_space<vmem_shared>>
        %dma_start3A_601 = tpu.memref_slice %arg8[%dma_start3A_592] : memref<8x!tpu.dma_semaphore, #tpu.memory_space<semaphore_mem>> -> memref<1x!tpu.dma_semaphore, #tpu.memory_space<semaphore_mem>>
        %dma_start3A_602 = tpu.memref_squeeze %dma_start3A_601 : memref<1x!tpu.dma_semaphore, #tpu.memory_space<semaphore_mem>> -> memref<!tpu.dma_semaphore, #tpu.memory_space<semaphore_mem>>
        tpu.enqueue_indirect_dma source(%dma_start3A_600 : memref<16x128xf32, #tpu.memory_space<vmem_shared>>) target(%dma_start3A_596 : memref<80x128xf32, #tpu.memory_space<vmem>>) offsets(%dma_start3A_597 : memref<80xi32, #tpu.memory_space<vmem>>) semaphore(%dma_start3A_602 : memref<!tpu.dma_semaphore, #tpu.memory_space<semaphore_mem>>)
      } else {
      }
      %mul3A_426 = arith.constant 80 : i32
      %mul3A_427 = arith.muli %add3A_403, %mul3A_426 : i32
      %add3A_428 = arith.addi %multiple_of3A, %mul3A_427 : i32
      %multiple_of3A_429 = tpu.assume_multiple %add3A_428, 8 : i32
      %dma_start3A_430 = arith.constant 4 : i32
      %dma_start3A_431 = arith.constant 4 : i32
      %dma_start3A_432 = arith.constant 0 : i32
      %dma_start3A_433 = arith.constant 0 : i32
      %dma_start3A_434 = tpu.memref_slice %arg7[%dma_start3A_430, %dma_start3A_432, %dma_start3A_433] : memref<8x80x128xf32, #tpu.memory_space<vmem>> -> memref<1x80x128xf32, #tpu.memory_space<vmem>>
      %dma_start3A_435 = tpu.memref_squeeze %dma_start3A_434 : memref<1x80x128xf32, #tpu.memory_space<vmem>> -> memref<80x128xf32, #tpu.memory_space<vmem>>
      %dma_start3A_436 = arith.constant 0 : i32
      %dma_start3A_437 = tpu.memref_slice %arg4[%multiple_of3A_429, %dma_start3A_436] : memref<819200x128xf32, #tpu.memory_space<hbm>> -> memref<80x128xf32, #tpu.memory_space<hbm>>
      %dma_start3A_438 = tpu.memref_slice %arg9[%dma_start3A_431] : memref<8x!tpu.dma_semaphore, #tpu.memory_space<semaphore_mem>> -> memref<1x!tpu.dma_semaphore, #tpu.memory_space<semaphore_mem>>
      %dma_start3A_439 = tpu.memref_squeeze %dma_start3A_438 : memref<1x!tpu.dma_semaphore, #tpu.memory_space<semaphore_mem>> -> memref<!tpu.dma_semaphore, #tpu.memory_space<semaphore_mem>>
      %dma_start3A_440 = arith.constant 0 : i32
      %dma_start3A_441 = tpu.memref_slice %arg4[%multiple_of3A_429, %dma_start3A_440] : memref<819200x128xf32, #tpu.memory_space<hbm>> -> memref<80x128xf32, #tpu.memory_space<hbm>>
      %dma_start3A_442 = arith.constant 0 : i32
      %dma_start3A_443 = arith.constant 0 : i32
      %dma_start3A_444 = tpu.memref_slice %arg7[%dma_start3A_430, %dma_start3A_442, %dma_start3A_443] : memref<8x80x128xf32, #tpu.memory_space<vmem>> -> memref<1x80x128xf32, #tpu.memory_space<vmem>>
      %dma_start3A_445 = tpu.memref_squeeze %dma_start3A_444 : memref<1x80x128xf32, #tpu.memory_space<vmem>> -> memref<80x128xf32, #tpu.memory_space<vmem>>
      tpu.enqueue_dma source(%dma_start3A_445 : memref<80x128xf32, #tpu.memory_space<vmem>>) target(%dma_start3A_441 : memref<80x128xf32, #tpu.memory_space<hbm>>) target_semaphore(%dma_start3A_439 : memref<!tpu.dma_semaphore, #tpu.memory_space<semaphore_mem>>)
      %mul3A_446 = arith.constant 8 : i32
      %mul3A_447 = arith.muli %scan3A_216, %mul3A_446 : i32
      %add3A_448 = arith.constant 5 : i32
      %add3A_449 = arith.addi %mul3A_447, %add3A_448 : i32
      %mul3A_450 = arith.constant 80 : i32
      %mul3A_451 = arith.muli %add3A_449, %mul3A_450 : i32
      %multiple_of3A_452 = tpu.assume_multiple %mul3A_451, 8 : i32
      %dma_wait3A_453 = arith.constant 5 : i32
      %dma_wait3A_454 = arith.constant 5 : i32
      %dma_wait3A_455 = arith.constant 0 : i32
      %dma_wait3A_456 = arith.constant 0 : i32
      %dma_wait3A_457 = tpu.memref_slice %arg7[%dma_wait3A_453, %dma_wait3A_455, %dma_wait3A_456] : memref<8x80x128xf32, #tpu.memory_space<vmem>> -> memref<1x80x128xf32, #tpu.memory_space<vmem>>
      %dma_wait3A_458 = tpu.memref_squeeze %dma_wait3A_457 : memref<1x80x128xf32, #tpu.memory_space<vmem>> -> memref<80x128xf32, #tpu.memory_space<vmem>>
      %dma_wait3A_459 = tpu.memref_slice %arg6[%multiple_of3A_452] : memref<25600xi32, #tpu.memory_space<vmem>> -> memref<80xi32, #tpu.memory_space<vmem>>
      %dma_wait3A_460 = arith.constant 0 : i32
      %dma_wait3A_461 = arith.constant 0 : i32
      %dma_wait3A_462 = tpu.memref_slice %arg5[%dma_wait3A_460, %dma_wait3A_461] : memref<16x128xf32, #tpu.memory_space<vmem_shared>> -> memref<16x128xf32, #tpu.memory_space<vmem_shared>>
      %dma_wait3A_463 = tpu.memref_slice %arg8[%dma_wait3A_454] : memref<8x!tpu.dma_semaphore, #tpu.memory_space<semaphore_mem>> -> memref<1x!tpu.dma_semaphore, #tpu.memory_space<semaphore_mem>>
      %dma_wait3A_464 = tpu.memref_squeeze %dma_wait3A_463 : memref<1x!tpu.dma_semaphore, #tpu.memory_space<semaphore_mem>> -> memref<!tpu.dma_semaphore, #tpu.memory_space<semaphore_mem>>
      tpu.wait_indirect_dma semaphore(%dma_wait3A_464 : memref<!tpu.dma_semaphore, #tpu.memory_space<semaphore_mem>>) src(%dma_wait3A_462 : memref<16x128xf32, #tpu.memory_space<vmem_shared>>) dst(%dma_wait3A_458 : memref<80x128xf32, #tpu.memory_space<vmem>>)
      %add3A_465 = arith.constant 4 : i32
      %add3A_466 = arith.addi %add3A_449, %add3A_465 : i32
      %lt3A_467 = arith.constant 320 : i32
      %lt3A_468 = arith.cmpi slt, %add3A_466, %lt3A_467 : i32
      %convert_element_type3A_469 = arith.extui %lt3A_468 : i1 to i32
      %cond3A_470 = arith.constant 0 : i32
      %cond3A_471 = arith.cmpi ne, %convert_element_type3A_469, %cond3A_470 : i32
      scf.if %cond3A_471 {
        %ge3A = arith.constant 8 : i32
        %ge3A_584 = arith.cmpi sge, %add3A_466, %ge3A : i32
        %convert_element_type3A_585 = arith.extui %ge3A_584 : i1 to i32
        %cond3A_586 = arith.constant 0 : i32
        %cond3A_587 = arith.cmpi ne, %convert_element_type3A_585, %cond3A_586 : i32
        scf.if %cond3A_587 {
          %sub3A = arith.constant 8 : i32
          %sub3A_603 = arith.subi %add3A_466, %sub3A : i32
          %mul3A_604 = arith.constant 80 : i32
          %mul3A_605 = arith.muli %sub3A_603, %mul3A_604 : i32
          %add3A_606 = arith.addi %multiple_of3A, %mul3A_605 : i32
          %multiple_of3A_607 = tpu.assume_multiple %add3A_606, 8 : i32
          %dma_wait3A_608 = arith.constant 1 : i32
          %dma_wait3A_609 = arith.constant 1 : i32
          %dma_wait3A_610 = arith.constant 0 : i32
          %dma_wait3A_611 = arith.constant 0 : i32
          %dma_wait3A_612 = tpu.memref_slice %arg7[%dma_wait3A_608, %dma_wait3A_610, %dma_wait3A_611] : memref<8x80x128xf32, #tpu.memory_space<vmem>> -> memref<1x80x128xf32, #tpu.memory_space<vmem>>
          %dma_wait3A_613 = tpu.memref_squeeze %dma_wait3A_612 : memref<1x80x128xf32, #tpu.memory_space<vmem>> -> memref<80x128xf32, #tpu.memory_space<vmem>>
          %dma_wait3A_614 = arith.constant 0 : i32
          %dma_wait3A_615 = tpu.memref_slice %arg4[%multiple_of3A_607, %dma_wait3A_614] : memref<819200x128xf32, #tpu.memory_space<hbm>> -> memref<80x128xf32, #tpu.memory_space<hbm>>
          %dma_wait3A_616 = tpu.memref_slice %arg9[%dma_wait3A_609] : memref<8x!tpu.dma_semaphore, #tpu.memory_space<semaphore_mem>> -> memref<1x!tpu.dma_semaphore, #tpu.memory_space<semaphore_mem>>
          %dma_wait3A_617 = tpu.memref_squeeze %dma_wait3A_616 : memref<1x!tpu.dma_semaphore, #tpu.memory_space<semaphore_mem>> -> memref<!tpu.dma_semaphore, #tpu.memory_space<semaphore_mem>>
          %dma_wait3A_618 = arith.constant 0 : i32
          %dma_wait3A_619 = tpu.memref_slice %arg4[%multiple_of3A_607, %dma_wait3A_618] : memref<819200x128xf32, #tpu.memory_space<hbm>> -> memref<80x128xf32, #tpu.memory_space<hbm>>
          %dma_wait3A_620 = arith.constant 0 : i32
          %dma_wait3A_621 = arith.constant 0 : i32
          %dma_wait3A_622 = tpu.memref_slice %arg7[%dma_wait3A_608, %dma_wait3A_620, %dma_wait3A_621] : memref<8x80x128xf32, #tpu.memory_space<vmem>> -> memref<1x80x128xf32, #tpu.memory_space<vmem>>
          %dma_wait3A_623 = tpu.memref_squeeze %dma_wait3A_622 : memref<1x80x128xf32, #tpu.memory_space<vmem>> -> memref<80x128xf32, #tpu.memory_space<vmem>>
          tpu.wait_dma2 semaphore(%dma_wait3A_617 : memref<!tpu.dma_semaphore, #tpu.memory_space<semaphore_mem>>) src(%dma_wait3A_623 : memref<80x128xf32, #tpu.memory_space<vmem>>) dst(%dma_wait3A_619 : memref<80x128xf32, #tpu.memory_space<hbm>>)
        } else {
        }
        %mul3A_588 = arith.constant 80 : i32
        %mul3A_589 = arith.muli %add3A_466, %mul3A_588 : i32
        %multiple_of3A_590 = tpu.assume_multiple %mul3A_589, 8 : i32
        %dma_start3A_591 = arith.constant 1 : i32
        %dma_start3A_592 = arith.constant 1 : i32
        %dma_start3A_593 = arith.constant 0 : i32
        %dma_start3A_594 = arith.constant 0 : i32
        %dma_start3A_595 = tpu.memref_slice %arg7[%dma_start3A_591, %dma_start3A_593, %dma_start3A_594] : memref<8x80x128xf32, #tpu.memory_space<vmem>> -> memref<1x80x128xf32, #tpu.memory_space<vmem>>
        %dma_start3A_596 = tpu.memref_squeeze %dma_start3A_595 : memref<1x80x128xf32, #tpu.memory_space<vmem>> -> memref<80x128xf32, #tpu.memory_space<vmem>>
        %dma_start3A_597 = tpu.memref_slice %arg6[%multiple_of3A_590] : memref<25600xi32, #tpu.memory_space<vmem>> -> memref<80xi32, #tpu.memory_space<vmem>>
        %dma_start3A_598 = arith.constant 0 : i32
        %dma_start3A_599 = arith.constant 0 : i32
        %dma_start3A_600 = tpu.memref_slice %arg5[%dma_start3A_598, %dma_start3A_599] : memref<16x128xf32, #tpu.memory_space<vmem_shared>> -> memref<16x128xf32, #tpu.memory_space<vmem_shared>>
        %dma_start3A_601 = tpu.memref_slice %arg8[%dma_start3A_592] : memref<8x!tpu.dma_semaphore, #tpu.memory_space<semaphore_mem>> -> memref<1x!tpu.dma_semaphore, #tpu.memory_space<semaphore_mem>>
        %dma_start3A_602 = tpu.memref_squeeze %dma_start3A_601 : memref<1x!tpu.dma_semaphore, #tpu.memory_space<semaphore_mem>> -> memref<!tpu.dma_semaphore, #tpu.memory_space<semaphore_mem>>
        tpu.enqueue_indirect_dma source(%dma_start3A_600 : memref<16x128xf32, #tpu.memory_space<vmem_shared>>) target(%dma_start3A_596 : memref<80x128xf32, #tpu.memory_space<vmem>>) offsets(%dma_start3A_597 : memref<80xi32, #tpu.memory_space<vmem>>) semaphore(%dma_start3A_602 : memref<!tpu.dma_semaphore, #tpu.memory_space<semaphore_mem>>)
      } else {
      }
      %mul3A_472 = arith.constant 80 : i32
      %mul3A_473 = arith.muli %add3A_449, %mul3A_472 : i32
      %add3A_474 = arith.addi %multiple_of3A, %mul3A_473 : i32
      %multiple_of3A_475 = tpu.assume_multiple %add3A_474, 8 : i32
      %dma_start3A_476 = arith.constant 5 : i32
      %dma_start3A_477 = arith.constant 5 : i32
      %dma_start3A_478 = arith.constant 0 : i32
      %dma_start3A_479 = arith.constant 0 : i32
      %dma_start3A_480 = tpu.memref_slice %arg7[%dma_start3A_476, %dma_start3A_478, %dma_start3A_479] : memref<8x80x128xf32, #tpu.memory_space<vmem>> -> memref<1x80x128xf32, #tpu.memory_space<vmem>>
      %dma_start3A_481 = tpu.memref_squeeze %dma_start3A_480 : memref<1x80x128xf32, #tpu.memory_space<vmem>> -> memref<80x128xf32, #tpu.memory_space<vmem>>
      %dma_start3A_482 = arith.constant 0 : i32
      %dma_start3A_483 = tpu.memref_slice %arg4[%multiple_of3A_475, %dma_start3A_482] : memref<819200x128xf32, #tpu.memory_space<hbm>> -> memref<80x128xf32, #tpu.memory_space<hbm>>
      %dma_start3A_484 = tpu.memref_slice %arg9[%dma_start3A_477] : memref<8x!tpu.dma_semaphore, #tpu.memory_space<semaphore_mem>> -> memref<1x!tpu.dma_semaphore, #tpu.memory_space<semaphore_mem>>
      %dma_start3A_485 = tpu.memref_squeeze %dma_start3A_484 : memref<1x!tpu.dma_semaphore, #tpu.memory_space<semaphore_mem>> -> memref<!tpu.dma_semaphore, #tpu.memory_space<semaphore_mem>>
      %dma_start3A_486 = arith.constant 0 : i32
      %dma_start3A_487 = tpu.memref_slice %arg4[%multiple_of3A_475, %dma_start3A_486] : memref<819200x128xf32, #tpu.memory_space<hbm>> -> memref<80x128xf32, #tpu.memory_space<hbm>>
      %dma_start3A_488 = arith.constant 0 : i32
      %dma_start3A_489 = arith.constant 0 : i32
      %dma_start3A_490 = tpu.memref_slice %arg7[%dma_start3A_476, %dma_start3A_488, %dma_start3A_489] : memref<8x80x128xf32, #tpu.memory_space<vmem>> -> memref<1x80x128xf32, #tpu.memory_space<vmem>>
      %dma_start3A_491 = tpu.memref_squeeze %dma_start3A_490 : memref<1x80x128xf32, #tpu.memory_space<vmem>> -> memref<80x128xf32, #tpu.memory_space<vmem>>
      tpu.enqueue_dma source(%dma_start3A_491 : memref<80x128xf32, #tpu.memory_space<vmem>>) target(%dma_start3A_487 : memref<80x128xf32, #tpu.memory_space<hbm>>) target_semaphore(%dma_start3A_485 : memref<!tpu.dma_semaphore, #tpu.memory_space<semaphore_mem>>)
      %mul3A_492 = arith.constant 8 : i32
      %mul3A_493 = arith.muli %scan3A_216, %mul3A_492 : i32
      %add3A_494 = arith.constant 6 : i32
      %add3A_495 = arith.addi %mul3A_493, %add3A_494 : i32
      %mul3A_496 = arith.constant 80 : i32
      %mul3A_497 = arith.muli %add3A_495, %mul3A_496 : i32
      %multiple_of3A_498 = tpu.assume_multiple %mul3A_497, 8 : i32
      %dma_wait3A_499 = arith.constant 6 : i32
      %dma_wait3A_500 = arith.constant 6 : i32
      %dma_wait3A_501 = arith.constant 0 : i32
      %dma_wait3A_502 = arith.constant 0 : i32
      %dma_wait3A_503 = tpu.memref_slice %arg7[%dma_wait3A_499, %dma_wait3A_501, %dma_wait3A_502] : memref<8x80x128xf32, #tpu.memory_space<vmem>> -> memref<1x80x128xf32, #tpu.memory_space<vmem>>
      %dma_wait3A_504 = tpu.memref_squeeze %dma_wait3A_503 : memref<1x80x128xf32, #tpu.memory_space<vmem>> -> memref<80x128xf32, #tpu.memory_space<vmem>>
      %dma_wait3A_505 = tpu.memref_slice %arg6[%multiple_of3A_498] : memref<25600xi32, #tpu.memory_space<vmem>> -> memref<80xi32, #tpu.memory_space<vmem>>
      %dma_wait3A_506 = arith.constant 0 : i32
      %dma_wait3A_507 = arith.constant 0 : i32
      %dma_wait3A_508 = tpu.memref_slice %arg5[%dma_wait3A_506, %dma_wait3A_507] : memref<16x128xf32, #tpu.memory_space<vmem_shared>> -> memref<16x128xf32, #tpu.memory_space<vmem_shared>>
      %dma_wait3A_509 = tpu.memref_slice %arg8[%dma_wait3A_500] : memref<8x!tpu.dma_semaphore, #tpu.memory_space<semaphore_mem>> -> memref<1x!tpu.dma_semaphore, #tpu.memory_space<semaphore_mem>>
      %dma_wait3A_510 = tpu.memref_squeeze %dma_wait3A_509 : memref<1x!tpu.dma_semaphore, #tpu.memory_space<semaphore_mem>> -> memref<!tpu.dma_semaphore, #tpu.memory_space<semaphore_mem>>
      tpu.wait_indirect_dma semaphore(%dma_wait3A_510 : memref<!tpu.dma_semaphore, #tpu.memory_space<semaphore_mem>>) src(%dma_wait3A_508 : memref<16x128xf32, #tpu.memory_space<vmem_shared>>) dst(%dma_wait3A_504 : memref<80x128xf32, #tpu.memory_space<vmem>>)
      %add3A_511 = arith.constant 4 : i32
      %add3A_512 = arith.addi %add3A_495, %add3A_511 : i32
      %lt3A_513 = arith.constant 320 : i32
      %lt3A_514 = arith.cmpi slt, %add3A_512, %lt3A_513 : i32
      %convert_element_type3A_515 = arith.extui %lt3A_514 : i1 to i32
      %cond3A_516 = arith.constant 0 : i32
      %cond3A_517 = arith.cmpi ne, %convert_element_type3A_515, %cond3A_516 : i32
      scf.if %cond3A_517 {
        %ge3A = arith.constant 8 : i32
        %ge3A_584 = arith.cmpi sge, %add3A_512, %ge3A : i32
        %convert_element_type3A_585 = arith.extui %ge3A_584 : i1 to i32
        %cond3A_586 = arith.constant 0 : i32
        %cond3A_587 = arith.cmpi ne, %convert_element_type3A_585, %cond3A_586 : i32
        scf.if %cond3A_587 {
          %sub3A = arith.constant 8 : i32
          %sub3A_603 = arith.subi %add3A_512, %sub3A : i32
          %mul3A_604 = arith.constant 80 : i32
          %mul3A_605 = arith.muli %sub3A_603, %mul3A_604 : i32
          %add3A_606 = arith.addi %multiple_of3A, %mul3A_605 : i32
          %multiple_of3A_607 = tpu.assume_multiple %add3A_606, 8 : i32
          %dma_wait3A_608 = arith.constant 2 : i32
          %dma_wait3A_609 = arith.constant 2 : i32
          %dma_wait3A_610 = arith.constant 0 : i32
          %dma_wait3A_611 = arith.constant 0 : i32
          %dma_wait3A_612 = tpu.memref_slice %arg7[%dma_wait3A_608, %dma_wait3A_610, %dma_wait3A_611] : memref<8x80x128xf32, #tpu.memory_space<vmem>> -> memref<1x80x128xf32, #tpu.memory_space<vmem>>
          %dma_wait3A_613 = tpu.memref_squeeze %dma_wait3A_612 : memref<1x80x128xf32, #tpu.memory_space<vmem>> -> memref<80x128xf32, #tpu.memory_space<vmem>>
          %dma_wait3A_614 = arith.constant 0 : i32
          %dma_wait3A_615 = tpu.memref_slice %arg4[%multiple_of3A_607, %dma_wait3A_614] : memref<819200x128xf32, #tpu.memory_space<hbm>> -> memref<80x128xf32, #tpu.memory_space<hbm>>
          %dma_wait3A_616 = tpu.memref_slice %arg9[%dma_wait3A_609] : memref<8x!tpu.dma_semaphore, #tpu.memory_space<semaphore_mem>> -> memref<1x!tpu.dma_semaphore, #tpu.memory_space<semaphore_mem>>
          %dma_wait3A_617 = tpu.memref_squeeze %dma_wait3A_616 : memref<1x!tpu.dma_semaphore, #tpu.memory_space<semaphore_mem>> -> memref<!tpu.dma_semaphore, #tpu.memory_space<semaphore_mem>>
          %dma_wait3A_618 = arith.constant 0 : i32
          %dma_wait3A_619 = tpu.memref_slice %arg4[%multiple_of3A_607, %dma_wait3A_618] : memref<819200x128xf32, #tpu.memory_space<hbm>> -> memref<80x128xf32, #tpu.memory_space<hbm>>
          %dma_wait3A_620 = arith.constant 0 : i32
          %dma_wait3A_621 = arith.constant 0 : i32
          %dma_wait3A_622 = tpu.memref_slice %arg7[%dma_wait3A_608, %dma_wait3A_620, %dma_wait3A_621] : memref<8x80x128xf32, #tpu.memory_space<vmem>> -> memref<1x80x128xf32, #tpu.memory_space<vmem>>
          %dma_wait3A_623 = tpu.memref_squeeze %dma_wait3A_622 : memref<1x80x128xf32, #tpu.memory_space<vmem>> -> memref<80x128xf32, #tpu.memory_space<vmem>>
          tpu.wait_dma2 semaphore(%dma_wait3A_617 : memref<!tpu.dma_semaphore, #tpu.memory_space<semaphore_mem>>) src(%dma_wait3A_623 : memref<80x128xf32, #tpu.memory_space<vmem>>) dst(%dma_wait3A_619 : memref<80x128xf32, #tpu.memory_space<hbm>>)
        } else {
        }
        %mul3A_588 = arith.constant 80 : i32
        %mul3A_589 = arith.muli %add3A_512, %mul3A_588 : i32
        %multiple_of3A_590 = tpu.assume_multiple %mul3A_589, 8 : i32
        %dma_start3A_591 = arith.constant 2 : i32
        %dma_start3A_592 = arith.constant 2 : i32
        %dma_start3A_593 = arith.constant 0 : i32
        %dma_start3A_594 = arith.constant 0 : i32
        %dma_start3A_595 = tpu.memref_slice %arg7[%dma_start3A_591, %dma_start3A_593, %dma_start3A_594] : memref<8x80x128xf32, #tpu.memory_space<vmem>> -> memref<1x80x128xf32, #tpu.memory_space<vmem>>
        %dma_start3A_596 = tpu.memref_squeeze %dma_start3A_595 : memref<1x80x128xf32, #tpu.memory_space<vmem>> -> memref<80x128xf32, #tpu.memory_space<vmem>>
        %dma_start3A_597 = tpu.memref_slice %arg6[%multiple_of3A_590] : memref<25600xi32, #tpu.memory_space<vmem>> -> memref<80xi32, #tpu.memory_space<vmem>>
        %dma_start3A_598 = arith.constant 0 : i32
        %dma_start3A_599 = arith.constant 0 : i32
        %dma_start3A_600 = tpu.memref_slice %arg5[%dma_start3A_598, %dma_start3A_599] : memref<16x128xf32, #tpu.memory_space<vmem_shared>> -> memref<16x128xf32, #tpu.memory_space<vmem_shared>>
        %dma_start3A_601 = tpu.memref_slice %arg8[%dma_start3A_592] : memref<8x!tpu.dma_semaphore, #tpu.memory_space<semaphore_mem>> -> memref<1x!tpu.dma_semaphore, #tpu.memory_space<semaphore_mem>>
        %dma_start3A_602 = tpu.memref_squeeze %dma_start3A_601 : memref<1x!tpu.dma_semaphore, #tpu.memory_space<semaphore_mem>> -> memref<!tpu.dma_semaphore, #tpu.memory_space<semaphore_mem>>
        tpu.enqueue_indirect_dma source(%dma_start3A_600 : memref<16x128xf32, #tpu.memory_space<vmem_shared>>) target(%dma_start3A_596 : memref<80x128xf32, #tpu.memory_space<vmem>>) offsets(%dma_start3A_597 : memref<80xi32, #tpu.memory_space<vmem>>) semaphore(%dma_start3A_602 : memref<!tpu.dma_semaphore, #tpu.memory_space<semaphore_mem>>)
      } else {
      }
      %mul3A_518 = arith.constant 80 : i32
      %mul3A_519 = arith.muli %add3A_495, %mul3A_518 : i32
      %add3A_520 = arith.addi %multiple_of3A, %mul3A_519 : i32
      %multiple_of3A_521 = tpu.assume_multiple %add3A_520, 8 : i32
      %dma_start3A_522 = arith.constant 6 : i32
      %dma_start3A_523 = arith.constant 6 : i32
      %dma_start3A_524 = arith.constant 0 : i32
      %dma_start3A_525 = arith.constant 0 : i32
      %dma_start3A_526 = tpu.memref_slice %arg7[%dma_start3A_522, %dma_start3A_524, %dma_start3A_525] : memref<8x80x128xf32, #tpu.memory_space<vmem>> -> memref<1x80x128xf32, #tpu.memory_space<vmem>>
      %dma_start3A_527 = tpu.memref_squeeze %dma_start3A_526 : memref<1x80x128xf32, #tpu.memory_space<vmem>> -> memref<80x128xf32, #tpu.memory_space<vmem>>
      %dma_start3A_528 = arith.constant 0 : i32
      %dma_start3A_529 = tpu.memref_slice %arg4[%multiple_of3A_521, %dma_start3A_528] : memref<819200x128xf32, #tpu.memory_space<hbm>> -> memref<80x128xf32, #tpu.memory_space<hbm>>
      %dma_start3A_530 = tpu.memref_slice %arg9[%dma_start3A_523] : memref<8x!tpu.dma_semaphore, #tpu.memory_space<semaphore_mem>> -> memref<1x!tpu.dma_semaphore, #tpu.memory_space<semaphore_mem>>
      %dma_start3A_531 = tpu.memref_squeeze %dma_start3A_530 : memref<1x!tpu.dma_semaphore, #tpu.memory_space<semaphore_mem>> -> memref<!tpu.dma_semaphore, #tpu.memory_space<semaphore_mem>>
      %dma_start3A_532 = arith.constant 0 : i32
      %dma_start3A_533 = tpu.memref_slice %arg4[%multiple_of3A_521, %dma_start3A_532] : memref<819200x128xf32, #tpu.memory_space<hbm>> -> memref<80x128xf32, #tpu.memory_space<hbm>>
      %dma_start3A_534 = arith.constant 0 : i32
      %dma_start3A_535 = arith.constant 0 : i32
      %dma_start3A_536 = tpu.memref_slice %arg7[%dma_start3A_522, %dma_start3A_534, %dma_start3A_535] : memref<8x80x128xf32, #tpu.memory_space<vmem>> -> memref<1x80x128xf32, #tpu.memory_space<vmem>>
      %dma_start3A_537 = tpu.memref_squeeze %dma_start3A_536 : memref<1x80x128xf32, #tpu.memory_space<vmem>> -> memref<80x128xf32, #tpu.memory_space<vmem>>
      tpu.enqueue_dma source(%dma_start3A_537 : memref<80x128xf32, #tpu.memory_space<vmem>>) target(%dma_start3A_533 : memref<80x128xf32, #tpu.memory_space<hbm>>) target_semaphore(%dma_start3A_531 : memref<!tpu.dma_semaphore, #tpu.memory_space<semaphore_mem>>)
      %mul3A_538 = arith.constant 8 : i32
      %mul3A_539 = arith.muli %scan3A_216, %mul3A_538 : i32
      %add3A_540 = arith.constant 7 : i32
      %add3A_541 = arith.addi %mul3A_539, %add3A_540 : i32
      %mul3A_542 = arith.constant 80 : i32
      %mul3A_543 = arith.muli %add3A_541, %mul3A_542 : i32
      %multiple_of3A_544 = tpu.assume_multiple %mul3A_543, 8 : i32
      %dma_wait3A_545 = arith.constant 7 : i32
      %dma_wait3A_546 = arith.constant 7 : i32
      %dma_wait3A_547 = arith.constant 0 : i32
      %dma_wait3A_548 = arith.constant 0 : i32
      %dma_wait3A_549 = tpu.memref_slice %arg7[%dma_wait3A_545, %dma_wait3A_547, %dma_wait3A_548] : memref<8x80x128xf32, #tpu.memory_space<vmem>> -> memref<1x80x128xf32, #tpu.memory_space<vmem>>
      %dma_wait3A_550 = tpu.memref_squeeze %dma_wait3A_549 : memref<1x80x128xf32, #tpu.memory_space<vmem>> -> memref<80x128xf32, #tpu.memory_space<vmem>>
      %dma_wait3A_551 = tpu.memref_slice %arg6[%multiple_of3A_544] : memref<25600xi32, #tpu.memory_space<vmem>> -> memref<80xi32, #tpu.memory_space<vmem>>
      %dma_wait3A_552 = arith.constant 0 : i32
      %dma_wait3A_553 = arith.constant 0 : i32
      %dma_wait3A_554 = tpu.memref_slice %arg5[%dma_wait3A_552, %dma_wait3A_553] : memref<16x128xf32, #tpu.memory_space<vmem_shared>> -> memref<16x128xf32, #tpu.memory_space<vmem_shared>>
      %dma_wait3A_555 = tpu.memref_slice %arg8[%dma_wait3A_546] : memref<8x!tpu.dma_semaphore, #tpu.memory_space<semaphore_mem>> -> memref<1x!tpu.dma_semaphore, #tpu.memory_space<semaphore_mem>>
      %dma_wait3A_556 = tpu.memref_squeeze %dma_wait3A_555 : memref<1x!tpu.dma_semaphore, #tpu.memory_space<semaphore_mem>> -> memref<!tpu.dma_semaphore, #tpu.memory_space<semaphore_mem>>
      tpu.wait_indirect_dma semaphore(%dma_wait3A_556 : memref<!tpu.dma_semaphore, #tpu.memory_space<semaphore_mem>>) src(%dma_wait3A_554 : memref<16x128xf32, #tpu.memory_space<vmem_shared>>) dst(%dma_wait3A_550 : memref<80x128xf32, #tpu.memory_space<vmem>>)
      %add3A_557 = arith.constant 4 : i32
      %add3A_558 = arith.addi %add3A_541, %add3A_557 : i32
      %lt3A_559 = arith.constant 320 : i32
      %lt3A_560 = arith.cmpi slt, %add3A_558, %lt3A_559 : i32
      %convert_element_type3A_561 = arith.extui %lt3A_560 : i1 to i32
      %cond3A_562 = arith.constant 0 : i32
      %cond3A_563 = arith.cmpi ne, %convert_element_type3A_561, %cond3A_562 : i32
      scf.if %cond3A_563 {
        %ge3A = arith.constant 8 : i32
        %ge3A_584 = arith.cmpi sge, %add3A_558, %ge3A : i32
        %convert_element_type3A_585 = arith.extui %ge3A_584 : i1 to i32
        %cond3A_586 = arith.constant 0 : i32
        %cond3A_587 = arith.cmpi ne, %convert_element_type3A_585, %cond3A_586 : i32
        scf.if %cond3A_587 {
          %sub3A = arith.constant 8 : i32
          %sub3A_603 = arith.subi %add3A_558, %sub3A : i32
          %mul3A_604 = arith.constant 80 : i32
          %mul3A_605 = arith.muli %sub3A_603, %mul3A_604 : i32
          %add3A_606 = arith.addi %multiple_of3A, %mul3A_605 : i32
          %multiple_of3A_607 = tpu.assume_multiple %add3A_606, 8 : i32
          %dma_wait3A_608 = arith.constant 3 : i32
          %dma_wait3A_609 = arith.constant 3 : i32
          %dma_wait3A_610 = arith.constant 0 : i32
          %dma_wait3A_611 = arith.constant 0 : i32
          %dma_wait3A_612 = tpu.memref_slice %arg7[%dma_wait3A_608, %dma_wait3A_610, %dma_wait3A_611] : memref<8x80x128xf32, #tpu.memory_space<vmem>> -> memref<1x80x128xf32, #tpu.memory_space<vmem>>
          %dma_wait3A_613 = tpu.memref_squeeze %dma_wait3A_612 : memref<1x80x128xf32, #tpu.memory_space<vmem>> -> memref<80x128xf32, #tpu.memory_space<vmem>>
          %dma_wait3A_614 = arith.constant 0 : i32
          %dma_wait3A_615 = tpu.memref_slice %arg4[%multiple_of3A_607, %dma_wait3A_614] : memref<819200x128xf32, #tpu.memory_space<hbm>> -> memref<80x128xf32, #tpu.memory_space<hbm>>
          %dma_wait3A_616 = tpu.memref_slice %arg9[%dma_wait3A_609] : memref<8x!tpu.dma_semaphore, #tpu.memory_space<semaphore_mem>> -> memref<1x!tpu.dma_semaphore, #tpu.memory_space<semaphore_mem>>
          %dma_wait3A_617 = tpu.memref_squeeze %dma_wait3A_616 : memref<1x!tpu.dma_semaphore, #tpu.memory_space<semaphore_mem>> -> memref<!tpu.dma_semaphore, #tpu.memory_space<semaphore_mem>>
          %dma_wait3A_618 = arith.constant 0 : i32
          %dma_wait3A_619 = tpu.memref_slice %arg4[%multiple_of3A_607, %dma_wait3A_618] : memref<819200x128xf32, #tpu.memory_space<hbm>> -> memref<80x128xf32, #tpu.memory_space<hbm>>
          %dma_wait3A_620 = arith.constant 0 : i32
          %dma_wait3A_621 = arith.constant 0 : i32
          %dma_wait3A_622 = tpu.memref_slice %arg7[%dma_wait3A_608, %dma_wait3A_620, %dma_wait3A_621] : memref<8x80x128xf32, #tpu.memory_space<vmem>> -> memref<1x80x128xf32, #tpu.memory_space<vmem>>
          %dma_wait3A_623 = tpu.memref_squeeze %dma_wait3A_622 : memref<1x80x128xf32, #tpu.memory_space<vmem>> -> memref<80x128xf32, #tpu.memory_space<vmem>>
          tpu.wait_dma2 semaphore(%dma_wait3A_617 : memref<!tpu.dma_semaphore, #tpu.memory_space<semaphore_mem>>) src(%dma_wait3A_623 : memref<80x128xf32, #tpu.memory_space<vmem>>) dst(%dma_wait3A_619 : memref<80x128xf32, #tpu.memory_space<hbm>>)
        } else {
        }
        %mul3A_588 = arith.constant 80 : i32
        %mul3A_589 = arith.muli %add3A_558, %mul3A_588 : i32
        %multiple_of3A_590 = tpu.assume_multiple %mul3A_589, 8 : i32
        %dma_start3A_591 = arith.constant 3 : i32
        %dma_start3A_592 = arith.constant 3 : i32
        %dma_start3A_593 = arith.constant 0 : i32
        %dma_start3A_594 = arith.constant 0 : i32
        %dma_start3A_595 = tpu.memref_slice %arg7[%dma_start3A_591, %dma_start3A_593, %dma_start3A_594] : memref<8x80x128xf32, #tpu.memory_space<vmem>> -> memref<1x80x128xf32, #tpu.memory_space<vmem>>
        %dma_start3A_596 = tpu.memref_squeeze %dma_start3A_595 : memref<1x80x128xf32, #tpu.memory_space<vmem>> -> memref<80x128xf32, #tpu.memory_space<vmem>>
        %dma_start3A_597 = tpu.memref_slice %arg6[%multiple_of3A_590] : memref<25600xi32, #tpu.memory_space<vmem>> -> memref<80xi32, #tpu.memory_space<vmem>>
        %dma_start3A_598 = arith.constant 0 : i32
        %dma_start3A_599 = arith.constant 0 : i32
        %dma_start3A_600 = tpu.memref_slice %arg5[%dma_start3A_598, %dma_start3A_599] : memref<16x128xf32, #tpu.memory_space<vmem_shared>> -> memref<16x128xf32, #tpu.memory_space<vmem_shared>>
        %dma_start3A_601 = tpu.memref_slice %arg8[%dma_start3A_592] : memref<8x!tpu.dma_semaphore, #tpu.memory_space<semaphore_mem>> -> memref<1x!tpu.dma_semaphore, #tpu.memory_space<semaphore_mem>>
        %dma_start3A_602 = tpu.memref_squeeze %dma_start3A_601 : memref<1x!tpu.dma_semaphore, #tpu.memory_space<semaphore_mem>> -> memref<!tpu.dma_semaphore, #tpu.memory_space<semaphore_mem>>
        tpu.enqueue_indirect_dma source(%dma_start3A_600 : memref<16x128xf32, #tpu.memory_space<vmem_shared>>) target(%dma_start3A_596 : memref<80x128xf32, #tpu.memory_space<vmem>>) offsets(%dma_start3A_597 : memref<80xi32, #tpu.memory_space<vmem>>) semaphore(%dma_start3A_602 : memref<!tpu.dma_semaphore, #tpu.memory_space<semaphore_mem>>)
      } else {
      }
      %mul3A_564 = arith.constant 80 : i32
      %mul3A_565 = arith.muli %add3A_541, %mul3A_564 : i32
      %add3A_566 = arith.addi %multiple_of3A, %mul3A_565 : i32
      %multiple_of3A_567 = tpu.assume_multiple %add3A_566, 8 : i32
      %dma_start3A_568 = arith.constant 7 : i32
      %dma_start3A_569 = arith.constant 7 : i32
      %dma_start3A_570 = arith.constant 0 : i32
      %dma_start3A_571 = arith.constant 0 : i32
      %dma_start3A_572 = tpu.memref_slice %arg7[%dma_start3A_568, %dma_start3A_570, %dma_start3A_571] : memref<8x80x128xf32, #tpu.memory_space<vmem>> -> memref<1x80x128xf32, #tpu.memory_space<vmem>>
      %dma_start3A_573 = tpu.memref_squeeze %dma_start3A_572 : memref<1x80x128xf32, #tpu.memory_space<vmem>> -> memref<80x128xf32, #tpu.memory_space<vmem>>
      %dma_start3A_574 = arith.constant 0 : i32
      %dma_start3A_575 = tpu.memref_slice %arg4[%multiple_of3A_567, %dma_start3A_574] : memref<819200x128xf32, #tpu.memory_space<hbm>> -> memref<80x128xf32, #tpu.memory_space<hbm>>
      %dma_start3A_576 = tpu.memref_slice %arg9[%dma_start3A_569] : memref<8x!tpu.dma_semaphore, #tpu.memory_space<semaphore_mem>> -> memref<1x!tpu.dma_semaphore, #tpu.memory_space<semaphore_mem>>
      %dma_start3A_577 = tpu.memref_squeeze %dma_start3A_576 : memref<1x!tpu.dma_semaphore, #tpu.memory_space<semaphore_mem>> -> memref<!tpu.dma_semaphore, #tpu.memory_space<semaphore_mem>>
      %dma_start3A_578 = arith.constant 0 : i32
      %dma_start3A_579 = tpu.memref_slice %arg4[%multiple_of3A_567, %dma_start3A_578] : memref<819200x128xf32, #tpu.memory_space<hbm>> -> memref<80x128xf32, #tpu.memory_space<hbm>>
      %dma_start3A_580 = arith.constant 0 : i32
      %dma_start3A_581 = arith.constant 0 : i32
      %dma_start3A_582 = tpu.memref_slice %arg7[%dma_start3A_568, %dma_start3A_580, %dma_start3A_581] : memref<8x80x128xf32, #tpu.memory_space<vmem>> -> memref<1x80x128xf32, #tpu.memory_space<vmem>>
      %dma_start3A_583 = tpu.memref_squeeze %dma_start3A_582 : memref<1x80x128xf32, #tpu.memory_space<vmem>> -> memref<80x128xf32, #tpu.memory_space<vmem>>
      tpu.enqueue_dma source(%dma_start3A_583 : memref<80x128xf32, #tpu.memory_space<vmem>>) target(%dma_start3A_579 : memref<80x128xf32, #tpu.memory_space<hbm>>) target_semaphore(%dma_start3A_577 : memref<!tpu.dma_semaphore, #tpu.memory_space<semaphore_mem>>)
    }
    %scan3A_64 = arith.constant 40 : i32
    %add3A_65 = arith.constant 24960 : i32
    %add3A_66 = arith.addi %multiple_of3A, %add3A_65 : i32
    %multiple_of3A_67 = tpu.assume_multiple %add3A_66, 8 : i32
    %dma_wait3A = arith.constant 0 : i32
    %dma_wait3A_68 = arith.constant 0 : i32
    %dma_wait3A_69 = arith.constant 0 : i32
    %dma_wait3A_70 = arith.constant 0 : i32
    %dma_wait3A_71 = tpu.memref_slice %arg7[%dma_wait3A, %dma_wait3A_69, %dma_wait3A_70] : memref<8x80x128xf32, #tpu.memory_space<vmem>> -> memref<1x80x128xf32, #tpu.memory_space<vmem>>
    %dma_wait3A_72 = tpu.memref_squeeze %dma_wait3A_71 : memref<1x80x128xf32, #tpu.memory_space<vmem>> -> memref<80x128xf32, #tpu.memory_space<vmem>>
    %dma_wait3A_73 = arith.constant 0 : i32
    %dma_wait3A_74 = tpu.memref_slice %arg4[%multiple_of3A_67, %dma_wait3A_73] : memref<819200x128xf32, #tpu.memory_space<hbm>> -> memref<80x128xf32, #tpu.memory_space<hbm>>
    %dma_wait3A_75 = tpu.memref_slice %arg9[%dma_wait3A_68] : memref<8x!tpu.dma_semaphore, #tpu.memory_space<semaphore_mem>> -> memref<1x!tpu.dma_semaphore, #tpu.memory_space<semaphore_mem>>
    %dma_wait3A_76 = tpu.memref_squeeze %dma_wait3A_75 : memref<1x!tpu.dma_semaphore, #tpu.memory_space<semaphore_mem>> -> memref<!tpu.dma_semaphore, #tpu.memory_space<semaphore_mem>>
    %dma_wait3A_77 = arith.constant 0 : i32
    %dma_wait3A_78 = tpu.memref_slice %arg4[%multiple_of3A_67, %dma_wait3A_77] : memref<819200x128xf32, #tpu.memory_space<hbm>> -> memref<80x128xf32, #tpu.memory_space<hbm>>
    %dma_wait3A_79 = arith.constant 0 : i32
    %dma_wait3A_80 = arith.constant 0 : i32
    %dma_wait3A_81 = tpu.memref_slice %arg7[%dma_wait3A, %dma_wait3A_79, %dma_wait3A_80] : memref<8x80x128xf32, #tpu.memory_space<vmem>> -> memref<1x80x128xf32, #tpu.memory_space<vmem>>
    %dma_wait3A_82 = tpu.memref_squeeze %dma_wait3A_81 : memref<1x80x128xf32, #tpu.memory_space<vmem>> -> memref<80x128xf32, #tpu.memory_space<vmem>>
    tpu.wait_dma2 semaphore(%dma_wait3A_76 : memref<!tpu.dma_semaphore, #tpu.memory_space<semaphore_mem>>) src(%dma_wait3A_82 : memref<80x128xf32, #tpu.memory_space<vmem>>) dst(%dma_wait3A_78 : memref<80x128xf32, #tpu.memory_space<hbm>>)
    %add3A_83 = arith.constant 25040 : i32
    %add3A_84 = arith.addi %multiple_of3A, %add3A_83 : i32
    %multiple_of3A_85 = tpu.assume_multiple %add3A_84, 8 : i32
    %dma_wait3A_86 = arith.constant 1 : i32
    %dma_wait3A_87 = arith.constant 1 : i32
    %dma_wait3A_88 = arith.constant 0 : i32
    %dma_wait3A_89 = arith.constant 0 : i32
    %dma_wait3A_90 = tpu.memref_slice %arg7[%dma_wait3A_86, %dma_wait3A_88, %dma_wait3A_89] : memref<8x80x128xf32, #tpu.memory_space<vmem>> -> memref<1x80x128xf32, #tpu.memory_space<vmem>>
    %dma_wait3A_91 = tpu.memref_squeeze %dma_wait3A_90 : memref<1x80x128xf32, #tpu.memory_space<vmem>> -> memref<80x128xf32, #tpu.memory_space<vmem>>
    %dma_wait3A_92 = arith.constant 0 : i32
    %dma_wait3A_93 = tpu.memref_slice %arg4[%multiple_of3A_85, %dma_wait3A_92] : memref<819200x128xf32, #tpu.memory_space<hbm>> -> memref<80x128xf32, #tpu.memory_space<hbm>>
    %dma_wait3A_94 = tpu.memref_slice %arg9[%dma_wait3A_87] : memref<8x!tpu.dma_semaphore, #tpu.memory_space<semaphore_mem>> -> memref<1x!tpu.dma_semaphore, #tpu.memory_space<semaphore_mem>>
    %dma_wait3A_95 = tpu.memref_squeeze %dma_wait3A_94 : memref<1x!tpu.dma_semaphore, #tpu.memory_space<semaphore_mem>> -> memref<!tpu.dma_semaphore, #tpu.memory_space<semaphore_mem>>
    %dma_wait3A_96 = arith.constant 0 : i32
    %dma_wait3A_97 = tpu.memref_slice %arg4[%multiple_of3A_85, %dma_wait3A_96] : memref<819200x128xf32, #tpu.memory_space<hbm>> -> memref<80x128xf32, #tpu.memory_space<hbm>>
    %dma_wait3A_98 = arith.constant 0 : i32
    %dma_wait3A_99 = arith.constant 0 : i32
    %dma_wait3A_100 = tpu.memref_slice %arg7[%dma_wait3A_86, %dma_wait3A_98, %dma_wait3A_99] : memref<8x80x128xf32, #tpu.memory_space<vmem>> -> memref<1x80x128xf32, #tpu.memory_space<vmem>>
    %dma_wait3A_101 = tpu.memref_squeeze %dma_wait3A_100 : memref<1x80x128xf32, #tpu.memory_space<vmem>> -> memref<80x128xf32, #tpu.memory_space<vmem>>
    tpu.wait_dma2 semaphore(%dma_wait3A_95 : memref<!tpu.dma_semaphore, #tpu.memory_space<semaphore_mem>>) src(%dma_wait3A_101 : memref<80x128xf32, #tpu.memory_space<vmem>>) dst(%dma_wait3A_97 : memref<80x128xf32, #tpu.memory_space<hbm>>)
    %add3A_102 = arith.constant 25120 : i32
    %add3A_103 = arith.addi %multiple_of3A, %add3A_102 : i32
    %multiple_of3A_104 = tpu.assume_multiple %add3A_103, 8 : i32
    %dma_wait3A_105 = arith.constant 2 : i32
    %dma_wait3A_106 = arith.constant 2 : i32
    %dma_wait3A_107 = arith.constant 0 : i32
    %dma_wait3A_108 = arith.constant 0 : i32
    %dma_wait3A_109 = tpu.memref_slice %arg7[%dma_wait3A_105, %dma_wait3A_107, %dma_wait3A_108] : memref<8x80x128xf32, #tpu.memory_space<vmem>> -> memref<1x80x128xf32, #tpu.memory_space<vmem>>
    %dma_wait3A_110 = tpu.memref_squeeze %dma_wait3A_109 : memref<1x80x128xf32, #tpu.memory_space<vmem>> -> memref<80x128xf32, #tpu.memory_space<vmem>>
    %dma_wait3A_111 = arith.constant 0 : i32
    %dma_wait3A_112 = tpu.memref_slice %arg4[%multiple_of3A_104, %dma_wait3A_111] : memref<819200x128xf32, #tpu.memory_space<hbm>> -> memref<80x128xf32, #tpu.memory_space<hbm>>
    %dma_wait3A_113 = tpu.memref_slice %arg9[%dma_wait3A_106] : memref<8x!tpu.dma_semaphore, #tpu.memory_space<semaphore_mem>> -> memref<1x!tpu.dma_semaphore, #tpu.memory_space<semaphore_mem>>
    %dma_wait3A_114 = tpu.memref_squeeze %dma_wait3A_113 : memref<1x!tpu.dma_semaphore, #tpu.memory_space<semaphore_mem>> -> memref<!tpu.dma_semaphore, #tpu.memory_space<semaphore_mem>>
    %dma_wait3A_115 = arith.constant 0 : i32
    %dma_wait3A_116 = tpu.memref_slice %arg4[%multiple_of3A_104, %dma_wait3A_115] : memref<819200x128xf32, #tpu.memory_space<hbm>> -> memref<80x128xf32, #tpu.memory_space<hbm>>
    %dma_wait3A_117 = arith.constant 0 : i32
    %dma_wait3A_118 = arith.constant 0 : i32
    %dma_wait3A_119 = tpu.memref_slice %arg7[%dma_wait3A_105, %dma_wait3A_117, %dma_wait3A_118] : memref<8x80x128xf32, #tpu.memory_space<vmem>> -> memref<1x80x128xf32, #tpu.memory_space<vmem>>
    %dma_wait3A_120 = tpu.memref_squeeze %dma_wait3A_119 : memref<1x80x128xf32, #tpu.memory_space<vmem>> -> memref<80x128xf32, #tpu.memory_space<vmem>>
    tpu.wait_dma2 semaphore(%dma_wait3A_114 : memref<!tpu.dma_semaphore, #tpu.memory_space<semaphore_mem>>) src(%dma_wait3A_120 : memref<80x128xf32, #tpu.memory_space<vmem>>) dst(%dma_wait3A_116 : memref<80x128xf32, #tpu.memory_space<hbm>>)
    %add3A_121 = arith.constant 25200 : i32
    %add3A_122 = arith.addi %multiple_of3A, %add3A_121 : i32
    %multiple_of3A_123 = tpu.assume_multiple %add3A_122, 8 : i32
    %dma_wait3A_124 = arith.constant 3 : i32
    %dma_wait3A_125 = arith.constant 3 : i32
    %dma_wait3A_126 = arith.constant 0 : i32
    %dma_wait3A_127 = arith.constant 0 : i32
    %dma_wait3A_128 = tpu.memref_slice %arg7[%dma_wait3A_124, %dma_wait3A_126, %dma_wait3A_127] : memref<8x80x128xf32, #tpu.memory_space<vmem>> -> memref<1x80x128xf32, #tpu.memory_space<vmem>>
    %dma_wait3A_129 = tpu.memref_squeeze %dma_wait3A_128 : memref<1x80x128xf32, #tpu.memory_space<vmem>> -> memref<80x128xf32, #tpu.memory_space<vmem>>
    %dma_wait3A_130 = arith.constant 0 : i32
    %dma_wait3A_131 = tpu.memref_slice %arg4[%multiple_of3A_123, %dma_wait3A_130] : memref<819200x128xf32, #tpu.memory_space<hbm>> -> memref<80x128xf32, #tpu.memory_space<hbm>>
    %dma_wait3A_132 = tpu.memref_slice %arg9[%dma_wait3A_125] : memref<8x!tpu.dma_semaphore, #tpu.memory_space<semaphore_mem>> -> memref<1x!tpu.dma_semaphore, #tpu.memory_space<semaphore_mem>>
    %dma_wait3A_133 = tpu.memref_squeeze %dma_wait3A_132 : memref<1x!tpu.dma_semaphore, #tpu.memory_space<semaphore_mem>> -> memref<!tpu.dma_semaphore, #tpu.memory_space<semaphore_mem>>
    %dma_wait3A_134 = arith.constant 0 : i32
    %dma_wait3A_135 = tpu.memref_slice %arg4[%multiple_of3A_123, %dma_wait3A_134] : memref<819200x128xf32, #tpu.memory_space<hbm>> -> memref<80x128xf32, #tpu.memory_space<hbm>>
    %dma_wait3A_136 = arith.constant 0 : i32
    %dma_wait3A_137 = arith.constant 0 : i32
    %dma_wait3A_138 = tpu.memref_slice %arg7[%dma_wait3A_124, %dma_wait3A_136, %dma_wait3A_137] : memref<8x80x128xf32, #tpu.memory_space<vmem>> -> memref<1x80x128xf32, #tpu.memory_space<vmem>>
    %dma_wait3A_139 = tpu.memref_squeeze %dma_wait3A_138 : memref<1x80x128xf32, #tpu.memory_space<vmem>> -> memref<80x128xf32, #tpu.memory_space<vmem>>
    tpu.wait_dma2 semaphore(%dma_wait3A_133 : memref<!tpu.dma_semaphore, #tpu.memory_space<semaphore_mem>>) src(%dma_wait3A_139 : memref<80x128xf32, #tpu.memory_space<vmem>>) dst(%dma_wait3A_135 : memref<80x128xf32, #tpu.memory_space<hbm>>)
    %add3A_140 = arith.constant 25280 : i32
    %add3A_141 = arith.addi %multiple_of3A, %add3A_140 : i32
    %multiple_of3A_142 = tpu.assume_multiple %add3A_141, 8 : i32
    %dma_wait3A_143 = arith.constant 4 : i32
    %dma_wait3A_144 = arith.constant 4 : i32
    %dma_wait3A_145 = arith.constant 0 : i32
    %dma_wait3A_146 = arith.constant 0 : i32
    %dma_wait3A_147 = tpu.memref_slice %arg7[%dma_wait3A_143, %dma_wait3A_145, %dma_wait3A_146] : memref<8x80x128xf32, #tpu.memory_space<vmem>> -> memref<1x80x128xf32, #tpu.memory_space<vmem>>
    %dma_wait3A_148 = tpu.memref_squeeze %dma_wait3A_147 : memref<1x80x128xf32, #tpu.memory_space<vmem>> -> memref<80x128xf32, #tpu.memory_space<vmem>>
    %dma_wait3A_149 = arith.constant 0 : i32
    %dma_wait3A_150 = tpu.memref_slice %arg4[%multiple_of3A_142, %dma_wait3A_149] : memref<819200x128xf32, #tpu.memory_space<hbm>> -> memref<80x128xf32, #tpu.memory_space<hbm>>
    %dma_wait3A_151 = tpu.memref_slice %arg9[%dma_wait3A_144] : memref<8x!tpu.dma_semaphore, #tpu.memory_space<semaphore_mem>> -> memref<1x!tpu.dma_semaphore, #tpu.memory_space<semaphore_mem>>
    %dma_wait3A_152 = tpu.memref_squeeze %dma_wait3A_151 : memref<1x!tpu.dma_semaphore, #tpu.memory_space<semaphore_mem>> -> memref<!tpu.dma_semaphore, #tpu.memory_space<semaphore_mem>>
    %dma_wait3A_153 = arith.constant 0 : i32
    %dma_wait3A_154 = tpu.memref_slice %arg4[%multiple_of3A_142, %dma_wait3A_153] : memref<819200x128xf32, #tpu.memory_space<hbm>> -> memref<80x128xf32, #tpu.memory_space<hbm>>
    %dma_wait3A_155 = arith.constant 0 : i32
    %dma_wait3A_156 = arith.constant 0 : i32
    %dma_wait3A_157 = tpu.memref_slice %arg7[%dma_wait3A_143, %dma_wait3A_155, %dma_wait3A_156] : memref<8x80x128xf32, #tpu.memory_space<vmem>> -> memref<1x80x128xf32, #tpu.memory_space<vmem>>
    %dma_wait3A_158 = tpu.memref_squeeze %dma_wait3A_157 : memref<1x80x128xf32, #tpu.memory_space<vmem>> -> memref<80x128xf32, #tpu.memory_space<vmem>>
    tpu.wait_dma2 semaphore(%dma_wait3A_152 : memref<!tpu.dma_semaphore, #tpu.memory_space<semaphore_mem>>) src(%dma_wait3A_158 : memref<80x128xf32, #tpu.memory_space<vmem>>) dst(%dma_wait3A_154 : memref<80x128xf32, #tpu.memory_space<hbm>>)
    %add3A_159 = arith.constant 25360 : i32
    %add3A_160 = arith.addi %multiple_of3A, %add3A_159 : i32
    %multiple_of3A_161 = tpu.assume_multiple %add3A_160, 8 : i32
    %dma_wait3A_162 = arith.constant 5 : i32
    %dma_wait3A_163 = arith.constant 5 : i32
    %dma_wait3A_164 = arith.constant 0 : i32
    %dma_wait3A_165 = arith.constant 0 : i32
    %dma_wait3A_166 = tpu.memref_slice %arg7[%dma_wait3A_162, %dma_wait3A_164, %dma_wait3A_165] : memref<8x80x128xf32, #tpu.memory_space<vmem>> -> memref<1x80x128xf32, #tpu.memory_space<vmem>>
    %dma_wait3A_167 = tpu.memref_squeeze %dma_wait3A_166 : memref<1x80x128xf32, #tpu.memory_space<vmem>> -> memref<80x128xf32, #tpu.memory_space<vmem>>
    %dma_wait3A_168 = arith.constant 0 : i32
    %dma_wait3A_169 = tpu.memref_slice %arg4[%multiple_of3A_161, %dma_wait3A_168] : memref<819200x128xf32, #tpu.memory_space<hbm>> -> memref<80x128xf32, #tpu.memory_space<hbm>>
    %dma_wait3A_170 = tpu.memref_slice %arg9[%dma_wait3A_163] : memref<8x!tpu.dma_semaphore, #tpu.memory_space<semaphore_mem>> -> memref<1x!tpu.dma_semaphore, #tpu.memory_space<semaphore_mem>>
    %dma_wait3A_171 = tpu.memref_squeeze %dma_wait3A_170 : memref<1x!tpu.dma_semaphore, #tpu.memory_space<semaphore_mem>> -> memref<!tpu.dma_semaphore, #tpu.memory_space<semaphore_mem>>
    %dma_wait3A_172 = arith.constant 0 : i32
    %dma_wait3A_173 = tpu.memref_slice %arg4[%multiple_of3A_161, %dma_wait3A_172] : memref<819200x128xf32, #tpu.memory_space<hbm>> -> memref<80x128xf32, #tpu.memory_space<hbm>>
    %dma_wait3A_174 = arith.constant 0 : i32
    %dma_wait3A_175 = arith.constant 0 : i32
    %dma_wait3A_176 = tpu.memref_slice %arg7[%dma_wait3A_162, %dma_wait3A_174, %dma_wait3A_175] : memref<8x80x128xf32, #tpu.memory_space<vmem>> -> memref<1x80x128xf32, #tpu.memory_space<vmem>>
    %dma_wait3A_177 = tpu.memref_squeeze %dma_wait3A_176 : memref<1x80x128xf32, #tpu.memory_space<vmem>> -> memref<80x128xf32, #tpu.memory_space<vmem>>
    tpu.wait_dma2 semaphore(%dma_wait3A_171 : memref<!tpu.dma_semaphore, #tpu.memory_space<semaphore_mem>>) src(%dma_wait3A_177 : memref<80x128xf32, #tpu.memory_space<vmem>>) dst(%dma_wait3A_173 : memref<80x128xf32, #tpu.memory_space<hbm>>)
    %add3A_178 = arith.constant 25440 : i32
    %add3A_179 = arith.addi %multiple_of3A, %add3A_178 : i32
    %multiple_of3A_180 = tpu.assume_multiple %add3A_179, 8 : i32
    %dma_wait3A_181 = arith.constant 6 : i32
    %dma_wait3A_182 = arith.constant 6 : i32
    %dma_wait3A_183 = arith.constant 0 : i32
    %dma_wait3A_184 = arith.constant 0 : i32
    %dma_wait3A_185 = tpu.memref_slice %arg7[%dma_wait3A_181, %dma_wait3A_183, %dma_wait3A_184] : memref<8x80x128xf32, #tpu.memory_space<vmem>> -> memref<1x80x128xf32, #tpu.memory_space<vmem>>
    %dma_wait3A_186 = tpu.memref_squeeze %dma_wait3A_185 : memref<1x80x128xf32, #tpu.memory_space<vmem>> -> memref<80x128xf32, #tpu.memory_space<vmem>>
    %dma_wait3A_187 = arith.constant 0 : i32
    %dma_wait3A_188 = tpu.memref_slice %arg4[%multiple_of3A_180, %dma_wait3A_187] : memref<819200x128xf32, #tpu.memory_space<hbm>> -> memref<80x128xf32, #tpu.memory_space<hbm>>
    %dma_wait3A_189 = tpu.memref_slice %arg9[%dma_wait3A_182] : memref<8x!tpu.dma_semaphore, #tpu.memory_space<semaphore_mem>> -> memref<1x!tpu.dma_semaphore, #tpu.memory_space<semaphore_mem>>
    %dma_wait3A_190 = tpu.memref_squeeze %dma_wait3A_189 : memref<1x!tpu.dma_semaphore, #tpu.memory_space<semaphore_mem>> -> memref<!tpu.dma_semaphore, #tpu.memory_space<semaphore_mem>>
    %dma_wait3A_191 = arith.constant 0 : i32
    %dma_wait3A_192 = tpu.memref_slice %arg4[%multiple_of3A_180, %dma_wait3A_191] : memref<819200x128xf32, #tpu.memory_space<hbm>> -> memref<80x128xf32, #tpu.memory_space<hbm>>
    %dma_wait3A_193 = arith.constant 0 : i32
    %dma_wait3A_194 = arith.constant 0 : i32
    %dma_wait3A_195 = tpu.memref_slice %arg7[%dma_wait3A_181, %dma_wait3A_193, %dma_wait3A_194] : memref<8x80x128xf32, #tpu.memory_space<vmem>> -> memref<1x80x128xf32, #tpu.memory_space<vmem>>
    %dma_wait3A_196 = tpu.memref_squeeze %dma_wait3A_195 : memref<1x80x128xf32, #tpu.memory_space<vmem>> -> memref<80x128xf32, #tpu.memory_space<vmem>>
    tpu.wait_dma2 semaphore(%dma_wait3A_190 : memref<!tpu.dma_semaphore, #tpu.memory_space<semaphore_mem>>) src(%dma_wait3A_196 : memref<80x128xf32, #tpu.memory_space<vmem>>) dst(%dma_wait3A_192 : memref<80x128xf32, #tpu.memory_space<hbm>>)
    %add3A_197 = arith.constant 25520 : i32
    %add3A_198 = arith.addi %multiple_of3A, %add3A_197 : i32
    %multiple_of3A_199 = tpu.assume_multiple %add3A_198, 8 : i32
    %dma_wait3A_200 = arith.constant 7 : i32
    %dma_wait3A_201 = arith.constant 7 : i32
    %dma_wait3A_202 = arith.constant 0 : i32
    %dma_wait3A_203 = arith.constant 0 : i32
    %dma_wait3A_204 = tpu.memref_slice %arg7[%dma_wait3A_200, %dma_wait3A_202, %dma_wait3A_203] : memref<8x80x128xf32, #tpu.memory_space<vmem>> -> memref<1x80x128xf32, #tpu.memory_space<vmem>>
    %dma_wait3A_205 = tpu.memref_squeeze %dma_wait3A_204 : memref<1x80x128xf32, #tpu.memory_space<vmem>> -> memref<80x128xf32, #tpu.memory_space<vmem>>
    %dma_wait3A_206 = arith.constant 0 : i32
    %dma_wait3A_207 = tpu.memref_slice %arg4[%multiple_of3A_199, %dma_wait3A_206] : memref<819200x128xf32, #tpu.memory_space<hbm>> -> memref<80x128xf32, #tpu.memory_space<hbm>>
    %dma_wait3A_208 = tpu.memref_slice %arg9[%dma_wait3A_201] : memref<8x!tpu.dma_semaphore, #tpu.memory_space<semaphore_mem>> -> memref<1x!tpu.dma_semaphore, #tpu.memory_space<semaphore_mem>>
    %dma_wait3A_209 = tpu.memref_squeeze %dma_wait3A_208 : memref<1x!tpu.dma_semaphore, #tpu.memory_space<semaphore_mem>> -> memref<!tpu.dma_semaphore, #tpu.memory_space<semaphore_mem>>
    %dma_wait3A_210 = arith.constant 0 : i32
    %dma_wait3A_211 = tpu.memref_slice %arg4[%multiple_of3A_199, %dma_wait3A_210] : memref<819200x128xf32, #tpu.memory_space<hbm>> -> memref<80x128xf32, #tpu.memory_space<hbm>>
    %dma_wait3A_212 = arith.constant 0 : i32
    %dma_wait3A_213 = arith.constant 0 : i32
    %dma_wait3A_214 = tpu.memref_slice %arg7[%dma_wait3A_200, %dma_wait3A_212, %dma_wait3A_213] : memref<8x80x128xf32, #tpu.memory_space<vmem>> -> memref<1x80x128xf32, #tpu.memory_space<vmem>>
    %dma_wait3A_215 = tpu.memref_squeeze %dma_wait3A_214 : memref<1x80x128xf32, #tpu.memory_space<vmem>> -> memref<80x128xf32, #tpu.memory_space<vmem>>
    tpu.wait_dma2 semaphore(%dma_wait3A_209 : memref<!tpu.dma_semaphore, #tpu.memory_space<semaphore_mem>>) src(%dma_wait3A_215 : memref<80x128xf32, #tpu.memory_space<vmem>>) dst(%dma_wait3A_211 : memref<80x128xf32, #tpu.memory_space<hbm>>)
    return
  }
}

</mosaic_0001>

<sc_bundles>
// kernel: kernel.3.cloned.1.call-start
scs
__scs_entry_jumppad:
0x0: {  	(pc) =	sbr.rel $0x88, $3  }
0x1: {  	(tag) =	ssettag $0x0;
	lr =	simm.s32 $0x1  }
0x2: {  	[smem:$0x3F9F] =	sst lr;
	_ =	strace $0xD0000000  }
0x3: {  	_ = 	snop  }
0x4: {  	_ = 	snop  }
0x5: {  	_ = 	snop  }
0x6: {  	_ = 	snop  }
0x7: {  	_ = 	snop  }
__scs_overlays_trampoline_lowered:
0x8: {  	[smem:$0x3FAE] =	sst s0  }
0x9: {  	[smem:$0x3FAF] =	sst s1  }
0xa: {  	[smem:$0x3FB0] =	sst s2  }
0xb: {  	[smem:$0x3FB1] =	sst s3  }
0xc: {  	[smem:$0x3FB2] =	sst s4  }
0xd: {  	[smem:$0x3FB3] =	sst s5  }
0xe: {  	[smem:$0x3FB4] =	sst s6  }
0xf: {  	[smem:$0x3FB5] =	sst s7  }
0x10: {  	[smem:$0x3FB6] =	sst s8  }
0x11: {  	[smem:$0x3FB7] =	sst s9;
	s0 =	simm.s32 @!p0 $0x0  }
0x12: {  	s1 =	sld [smem:$0x3F9D];
	s0 =	simm.s32 @p0 $0x1  }
0x13: {  	[smem:$0x3FB8] =	sst s0;
	s0 =	simm.s32 @!p1 $0x0  }
0x14: {  	s2 =	sld [smem:$0x3F9C];
	s0 =	simm.s32 @p1 $0x1  }
0x15: {  	[smem:$0x3FB9] =	sst s0;
	s0 =	simm.s32 @!p2 $0x0  }
0x16: {  	s3 =	sld [smem:$0x3FDB];
	s0 =	simm.s32 @p2 $0x1  }
0x17: {  	s4 =	simm.s32 $0x1BF5;
	[smem:$0x3FBB] =	sst s0  }
0x18: {  	s0 =	sld [smem:$0x3F9E];
	_ =	swait.ge [sflag:s4], $0x0  }
0x19: {  	s7 =	sld [smem:$0x3F9F]  }
0x1a: {  	s8 =	sadd.s32 $0xFFFFE003, lr  }
0x1b: {  	s9 =	sadd.s32 $0xFFFFFEF7, lr;
	s5 =	simm.s32 $0xFFFFFFFF;
	p2 =	slt.u32 s8, $0xFFFFF086  }
0x1c: {  	p1 =	slt.u32 s9, $0xF7A;
	s5 =	simm.s32 @!p2 $0x0  }
0x1d: {  	s5 =	simm.s32 @p1 $0x1;
	p0 =	seq.s32 s7, s2  }
0x1e: {  	s7 =	smul.u32 @!p0 $0xF7A, s2;
	p2 =	seq.s32 @!p0 s5, $0x0  }
0x1f: {  	s9 =	smul.u32 $0xF7A, s1;
	s8 =	simm.s32 @!p0 $0x1BF5;
	p2 =	por !p2, p0  }
0x20: {  	[sflag:s8] =	ssyncset.s32 @!p0 $0xFFFFF086;
	s6 =	sadd.s32 @!p0 s3, s7;
	s7 =	simm.s32 @!p0 $0x108  }
0x21: {  	s3 =	sadd.s32 s3, s9;
	s6 =	sadd.s32 @!p0 $0x88, s6;
	s7 =	simm.s32 @p2 $0x1082  }
0x22: {  	[simem:s7], [sflag:s8] =	dma.local @!p0 [hbm:s6], $0xF7A  }
0x23: {  	s9 =	sor.u32 $0xD0000000, s2;
	s6 =	simm.s32 $0x108;
	_ =	swait.ge @!p0 [sflag:s8], $0x0  }
0x24: {  	s3 =	sadd.s32 $0x88, s3;
	s6 =	simm.s32 @!p1 $0x1082;
	[sflag:s4] =	ssyncset.s32 $0xFFFFF086  }
0x25: {  	[simem:s6], [sflag:s4] =	dma.local [hbm:s3], $0xF7A  }
0x26: {  	[smem:$0x3F9F] =	sst s1;
	(tag) =	ssettag s2;
	_ =	strace s9  }
0x27: {  	s1 =	sld [smem:$0x3FAF]  }
0x28: {  	s2 =	sld [smem:$0x3FB0]  }
0x29: {  	s4 =	sld [smem:$0x3FB2]  }
0x2a: {  	p0 =	seq.s32 s5, $0x0;
	s5 =	sld [smem:$0x3FB3]  }
0x2b: {  	s6 =	sld [smem:$0x3FB4]  }
0x2c: {  	s7 =	sld [smem:$0x3FB5]  }
0x2d: {  	s3 =	simm.s32 $0x108;
	s8 =	sld [smem:$0x3FB6]  }
0x2e: {  	s3 =	simm.s32 @!p0 $0x1082;
	s9 =	sld [smem:$0x3FB7]  }
0x2f: {  	lr =	sadd.s32 s0, s3;
	s0 =	sld [smem:$0x3FAE]  }
0x30: {  	s3 =	sld [smem:$0x3FB1]  }
0x31: {  	[smem:$0x3FBA] =	sst s10  }
0x32: {  	s10 =	sld [smem:$0x3FB8];
	_ =	sdelay $0x3  }
0x33: {  	p0 =	seq.s32 s10, $0x1;
	s10 =	sld [smem:$0x3FBA];
	_ =	sdelay $0x3  }
0x34: {  	[smem:$0x3FBA] =	sst s10  }
0x35: {  	s10 =	sld [smem:$0x3FB9];
	_ =	sdelay $0x3  }
0x36: {  	p1 =	seq.s32 s10, $0x1;
	s10 =	sld [smem:$0x3FBA];
	_ =	sdelay $0x3  }
0x37: {  	[smem:$0x3FBA] =	sst s10  }
0x38: {  	s10 =	sld [smem:$0x3FBB]  }
0x39: {  	_ = 	snop;
	(pc) =	sbr.ind lr, $3  }
0x3a: {  	_ = 	snop  }
0x3b: {  	_ = 	snop  }
0x3c: {  	p2 =	seq.s32 s10, $0x1;
	s10 =	sld [smem:$0x3FBA]  }
0x3d: {  	_ =	shalt  }
0x3e: {  	_ =	shalt  }
0x3f: {  	_ =	shalt  }
0x40: {  	_ =	shalt  }
0x41: {  	_ =	shalt  }
0x42: {  	_ =	shalt  }
0x43: {  	_ =	shalt  }
0x44: {  	_ =	shalt  }
0x45: {  	_ =	shalt  }
0x46: {  	_ =	shalt  }
0x47: {  	_ =	shalt  }
0x48: {  	_ =	shalt  }
0x49: {  	_ =	shalt  }
0x4a: {  	_ =	shalt  }
0x4b: {  	_ =	shalt  }
0x4c: {  	_ =	shalt  }
0x4d: {  	_ =	shalt  }
0x4e: {  	_ =	shalt  }
0x4f: {  	_ =	shalt  }
0x50: {  	_ =	shalt  }
0x51: {  	_ =	shalt  }
0x52: {  	_ =	shalt  }
0x53: {  	_ =	shalt  }
0x54: {  	_ =	shalt  }
0x55: {  	_ =	shalt  }
0x56: {  	_ =	shalt  }
0x57: {  	_ =	shalt  }
0x58: {  	_ =	shalt  }
0x59: {  	_ =	shalt  }
0x5a: {  	_ =	shalt  }
0x5b: {  	_ =	shalt  }
0x5c: {  	_ =	shalt  }
0x5d: {  	_ =	shalt  }
0x5e: {  	_ =	shalt  }
0x5f: {  	_ =	shalt  }
0x60: {  	_ =	shalt  }
0x61: {  	_ =	shalt  }
0x62: {  	_ =	shalt  }
0x63: {  	_ =	shalt  }
0x64: {  	_ =	shalt  }
0x65: {  	_ =	shalt  }
0x66: {  	_ =	shalt  }
0x67: {  	_ =	shalt  }
0x68: {  	_ =	shalt  }
0x69: {  	_ =	shalt  }
0x6a: {  	_ =	shalt  }
0x6b: {  	_ =	shalt  }
0x6c: {  	_ =	shalt  }
0x6d: {  	_ =	shalt  }
0x6e: {  	_ =	shalt  }
0x6f: {  	_ =	shalt  }
0x70: {  	_ =	shalt  }
0x71: {  	_ =	shalt  }
0x72: {  	_ =	shalt  }
0x73: {  	_ =	shalt  }
0x74: {  	_ =	shalt  }
0x75: {  	_ =	shalt  }
0x76: {  	_ =	shalt  }
0x77: {  	_ =	shalt  }
0x78: {  	_ =	shalt  }
0x79: {  	_ =	shalt  }
0x7a: {  	_ =	shalt  }
0x7b: {  	_ =	shalt  }
0x7c: {  	_ =	shalt  }
0x7d: {  	_ =	shalt  }
0x7e: {  	_ =	shalt  }
0x7f: {  	_ =	shalt  }
0x80: {  	_ =	shalt  }
0x81: {  	_ =	shalt  }
0x82: {  	_ =	shalt  }
0x83: {  	_ =	shalt  }
0x84: {  	_ =	shalt  }
0x85: {  	_ =	shalt  }
0x86: {  	_ =	shalt  }
0x87: {  	_ =	shalt  }
.Lfunc_end0:
.L_simem_size_0:
called_computation_lowered:
.L_overlay_start_0:
0x88: {  	s2 =	sld [smem:$0x3FD9]  }
0x89: {  	s3 =	sld [smem:$0x3FFE];
	_ =	sdelay $0x1  }
0x8a: {  	s1 =	srdreg.scid  }
0x8b: {  	s0 =	sand.u32 $0x1, s1  }
0x8c: {  	s17 =	sshll.u32 s0, $0xA;
	s2 =	sadd.s32 s3, s2  }
0x8d: {  	s2 =	sadd.s32 s2, s17  }
0x8e: {  	[smem:$0x3FC6] =	sst s2  }
0x8f: {  	_ = 	snop  }
0x90: {  	s2 =	sld [smem:$0x3FC8]  }
0x91: {  	s18 =	sld [smem:$0x3FD0];
	(tm) =	ssettm $0x1  }
0x92: {  	s4 =	sld [smem:$0x3FFB];
	_ =	sdelay $0x3  }
0x93: {  	_ =	strace s4  }
0x94: {  	s4 =	sld [smem:$0x3FFC];
	_ =	sdelay $0x3  }
0x95: {  	_ =	strace s4  }
0x96: {  	s4 =	sld [smem:$0x3FFD];
	_ =	sdelay $0x3  }
0x97: {  	_ =	strace s4  }
0x98: {  	_ =	strace $0x8FFFFFFF  }
0x99: {  	s19 =	sld [smem:$0x3FDB];
	_ =	sdelay $0x1  }
0x9a: {  	s5 =	simm.s32 $_scs_section_size  }
0x9b: {  	s6 =	simm.s32 $_size__tile_overlayer_lowered;
	s7 =	simm.s32 $_tile_overlayer_lowered  }
0x9c: {  	s22 =	simm.s32 $0x1BFF;
	s21 =	sshll.u32 s7, $0x1;
	s4 =	sadd.s32 s5, s19  }
0x9d: {  	s8 =	simm.s32 $0x0;
	s20 =	sshll.u32 s6, $0x1;
	s6 =	sadd.s32 s21, s4  }
0x9e: {  	[timem:s8], [sflag:s22] =	dma.local [hbm:s6], s20  }
0x9f: {  	_ =	swait.ge [sflag:s22], s20  }
0xa0: {  	s5 =	ssub.s32 $0x0, s20;
	[sflag:s22] =	ssyncset.done $0x0  }
0xa1: {  	[sflag:s22] =	ssyncadd.s32 s5;
	_ =	sdelay $0x1  }
0xa2: {  	s23 =	simm.s32 $0x1B8B  }
0xa3: {  	_ =	swait.ge [sflag:s23], $0x1  }
0xa4: {  	[sflag:s23] =	ssyncset.done $0x0  }
0xa5: {  	s25 =	simm.s32 $0x1B8E;
	s24 =	sld [smem:$0x3FFE];
	[sflag:s23] =	ssyncadd.s32 $0xFFFFFFFF  }
0xa6: {  	s26 =	simm.s32 $execute0_lowered;
	[smem:$0x3FD2] =	sst s25  }
0xa7: {  	s6 =	sshll.u32 s26, $0x1;
	_ =	strace $0x80000046;
	[dreg:$0x1] =	wrdreg $0xFFFFFFFF  }
0xa8: {  	s28 =	simm.s32 $_size_execute0_lowered;
	s4 =	sadd.s32 s4, s6;
	[dreg:$0x0] =	wrdreg $0x0  }
0xa9: {  	s6 =	sshll.u32 s28, $0x1;
	[dreg:$0x2] =	wrdreg s4  }
0xaa: {  	[dreg:$0x3] =	wrdreg s6  }
0xab: {  	[dreg:$0x4] =	wrdreg $0xC0  }
0xac: {  	_ =	task [dreg:s8], $0x5FFFF  }
0xad: {  	[dreg:$0x1] =	wrdreg $0xFFFFFFFF  }
0xae: {  	[dreg:$0x0] =	wrdreg $0x60  }
0xaf: {  	[dreg:$0x2] =	wrdreg s24  }
0xb0: {  	[dreg:$0x3] =	wrdreg s2  }
0xb1: {  	[dreg:$0x4] =	wrdreg s18  }
0xb2: {  	[dreg:$0x5] =	wrdreg $0x0  }
0xb3: {  	[dreg:$0x6] =	wrdreg $0x9  }
0xb4: {  	_ =	task.clear_ibuf [dreg:s8], $0x7FFFF;
	_ =	strace $0x90000046  }
0xb5: {  	s29 =	simm.s32 $0x9;
	_ =	strace $0x80000048  }
0xb6: {  	_ =	swait.ge [sflag:s29], $0x1  }
0xb7: {  	[sflag:s29] =	ssyncadd.s32 $0xFFFFFFFF  }
0xb8: {  	_ =	strace $0x90000048  }
0xb9: {  	_ =	sfence  }
0xba: {  	s30 =	sld [smem:$0x0];
	_ =	sdelay $0x2  }
0xbb: {  	s31 =	sshll.u32 s1, $0xD;
	s1 =	sshrl.u32 s1, $0x2  }
0xbc: {  	s3 =	sand.u32 $0x4000, s31;
	s1 =	sadd.s32 s1, s30  }
0xbd: {  	s0 =	sor.u32 s3, s0;
	s1 =	sshll.u32 s1, $0x11  }
0xbe: {  	s0 =	sor.u32 s1, s0  }
0xbf: {  	s0 =	sadd.s32 $0x8F2B, s0  }
0xc0: {  	[sflag:s0] =	ssyncadd.remote.s32 $0x1  }
0xc1: {  	_ =	sfence.sel $0xFFFF  }
0xc2: {  	[dreg:$0x0] =	wrdreg $0xFFFFFFFF;
	(pc) =	sbr.abs _section_cstart, $3  }
0xc3: {  	[dreg:$0x1] =	wrdreg $0xFFFFFFFF  }
0xc4: {  	_ =	task.clear_ibuf [dreg:s8], $0x2FFFF;
	_ =	strace $0x9FFFFFFF  }
0xc5: {  	(tm) =	ssettm $0x7FFFFFFF  }
tec
execute0_lowered:
.L_overlay_start_1:
0x0: {  	(tag) =	ssettag $0x1  }
0x1: {  	s0 =	rddreg [dreg:$0x0]  }
0x2: {  	s1 =	rddreg [dreg:$0x2];
	s3 =	srdreg.scid  }
0x3: {  	s4 =	stileid.u32;
	s2 =	rddreg [dreg:$0x3];
	s10 =	simm.s32 $0x50  }
0x4: {  	s11 =	simm.s32 $0x6480;
	s13 =	simm.s32 $0x8C80;
	s15 =	simm.s32 $0xB480  }
0x5: {  	s17 =	simm.s32 $0xDC80;
	s18 =	simm.s32 $0x1;
	s19 =	simm.s32 $0x10480  }
0x6: {  	s20 =	simm.s32 $0x2;
	s21 =	simm.s32 $0x12C80;
	s22 =	simm.s32 $0x3  }
0x7: {  	s23 =	simm.s32 $0x15480;
	s24 =	simm.s32 $0x4;
	s25 =	simm.s32 $0x17C80  }
0x8: {  	s28 =	simm.s32 $0x6;
	s29 =	simm.s32 $0x7;
	s30 =	simm.s32 $0x8  }
0x9: {  	s5 =	sand.u32 $0x1, s3;
	s6 =	sshll.u32 s4, $0x1;
	s3 =	simm.s32 $0x0  }
0xa: {  	s8 =	smul.u32 $0xC8000, s4;
	p0 =	sne.s32 s4, $0x0;
	s6 =	sor.u32 s5, s6  }
0xb: {  	s4 =	simm.s32 $0x10;
	s7 =	ssub.s32 $0x2, s5;
	s6 =	smul.u32 $0x6400, s6  }
0xc: {  	[smem:$0x7FF] =	sst s3;
	s5 =	smul.u32 $0x64000, s5;
	s9 =	sshrl.u32 s7, $0x1  }
0xd: {  	_ =	strace $0x80000047;
	s26 =	ssub.s32 s7, s9;
	s6 =	sshrl.u32 s6, $0x3  }
0xe: {  	s1 =	sadd.s32 s8, s1;
	s31 =	smax.u32 s26, $0x1;
	s0 =	sadd.s32 s6, s0  }
0xf: {  	s7 =	simm.s32 $0xF;
	[dreg:$0x6] =	wrdreg s31;
	s0 =	sadd.s32 $0x400, s0  }
0x10: {  	s26 =	simm.s32 $0x5;
	[dreg:$0x5] =	wrdreg s0;
	s0 =	sshrl.u32 @!p0 s2, $0x3  }
0x11: {  	s6 =	sadd.s32 s5, s1;
	s5 =	simm.s32 $0x0;
	[dreg:$0x7] =	wrdreg s0  }
.LBB2_1:
0x12: {  	s0 =	rddreg [dreg:$0x5];
	s8 =	simm.s32 $0x80;
	s1 =	simm.s32 $0x11  }
0x13: {  	[tilespmem:s8], [sflag:$0x11] =	stream.linear.gather [hbm4b:s0+s3], $0x6400, $0x38;
	[tilespmem:$0x1A480] =	vst v63  }
0x14: {  	_ =	swait.ge [sflag:s1], $0x6400  }
0x15: {  	[sflag:s1] =	ssyncset.done $0x0  }
0x16: {  	s9 =	rddreg [dreg:$0x7];
	[sflag:s1] =	ssyncadd.s32 $0xFFFF9C00  }
0x17: {  	s1 =	simm.s32 @!p0 $0x1C11;
	s0 =	rddreg [dreg:$0x1]  }
0x18: {  	[spmem:s9], [sflag:s1] =	dma.local @!p0 [hbm:s0], $0x100  }
0x19: {  	s1 =	simm.s32 @!p0 $0x11  }
0x1a: {  	_ =	swait.ge @!p0 [sflag:s1], $0x100  }
0x1b: {  	[sflag:s1] =	ssyncset.done @!p0 $0x0  }
0x1c: {  	[sflag:s1] =	ssyncadd.s32 @!p0 $0xFFFFFF00  }
0x1d: {  	[bflag:$0x0] =	sbarrier.arrive $0xFFFF  }
0x1e: {  	[tilespmem:s11], [sflag:$0x1] =	stream.indirect.gather [spmem:s2], $0x80, s8, s10, $0xb8;
	[tilespmem:$0x1A480] =	vst v63  }
0x1f: {  	s8 =	simm.s32 $0xD0  }
0x20: {  	[tilespmem:s13], [sflag:$0x2] =	stream.indirect.gather [spmem:s2], $0x80, s8, s10, $0xb8;
	[tilespmem:$0x1A480] =	vst v63  }
0x21: {  	s9 =	simm.s32 $0x120  }
0x22: {  	[tilespmem:s15], [sflag:$0x3] =	stream.indirect.gather [spmem:s2], $0x80, s9, s10, $0xb8;
	[tilespmem:$0x1A480] =	vst v63  }
0x23: {  	s12 =	simm.s32 $0x170  }
0x24: {  	[tilespmem:s17], [sflag:$0x4] =	stream.indirect.gather [spmem:s2], $0x80, s12, s10, $0xb8;
	[tilespmem:$0x1A480] =	vst v63  }
0x25: {  	_ =	swait.ge [sflag:s18], $0x2800  }
0x26: {  	p1 =	por $0x1, $0x1;
	[sflag:s18] =	ssyncset.done $0x0  }
0x27: {  	s1 =	simm.s32 @!p1 $0xD;
	[sflag:s18] =	ssyncadd.s32 $0xFFFFD800  }
0x28: {  	_ =	swait.ge @!p1 [sflag:s1], $0x2800  }
0x29: {  	[sflag:s1] =	ssyncset.done @!p1 $0x0  }
0x2a: {  	s14 =	simm.s32 $0x1C0;
	[sflag:s1] =	ssyncadd.s32 @!p1 $0xFFFFD800  }
0x2b: {  	[tilespmem:s19], [sflag:$0x5] =	stream.indirect.gather [spmem:s2], $0x80, s14, s10, $0xb8;
	[tilespmem:$0x1A480] =	vst v63  }
0x2c: {  	_ = 	snop  }
0x2d: {  	[hbm4b:s6+s3] =	stream.linear.scatter [tilespmem:s11], [sflag:$0x9], $0x2800, $0x38;
	[tilespmem:$0x1A480] =	vst v63  }
0x2e: {  	_ =	swait.ge [sflag:s20], $0x2800  }
0x2f: {  	[sflag:s20] =	ssyncset.done $0x0  }
0x30: {  	s1 =	simm.s32 @!p1 $0xE;
	[sflag:s20] =	ssyncadd.s32 $0xFFFFD800  }
0x31: {  	_ =	swait.ge @!p1 [sflag:s1], $0x2800  }
0x32: {  	[sflag:s1] =	ssyncset.done @!p1 $0x0  }
0x33: {  	s16 =	simm.s32 $0x210;
	[sflag:s1] =	ssyncadd.s32 @!p1 $0xFFFFD800  }
0x34: {  	[tilespmem:s21], [sflag:$0x6] =	stream.indirect.gather [spmem:s2], $0x80, s16, s10, $0xb8;
	[tilespmem:$0x1A480] =	vst v63  }
0x35: {  	s31 =	sadd.s32 $0x500, s6  }
0x36: {  	[hbm4b:s31+s3] =	stream.linear.scatter [tilespmem:s13], [sflag:$0xA], $0x2800, $0x38;
	[tilespmem:$0x1A480] =	vst v63  }
0x37: {  	_ =	swait.ge [sflag:s22], $0x2800  }
0x38: {  	[sflag:s22] =	ssyncset.done $0x0  }
0x39: {  	s1 =	simm.s32 @!p1 $0xF;
	[sflag:s22] =	ssyncadd.s32 $0xFFFFD800  }
0x3a: {  	_ =	swait.ge @!p1 [sflag:s1], $0x2800  }
0x3b: {  	[sflag:s1] =	ssyncset.done @!p1 $0x0  }
0x3c: {  	s0 =	simm.s32 $0x260;
	[sflag:s1] =	ssyncadd.s32 @!p1 $0xFFFFD800  }
0x3d: {  	[tilespmem:s23], [sflag:$0x7] =	stream.indirect.gather [spmem:s2], $0x80, s0, s10, $0xb8;
	[tilespmem:$0x1A480] =	vst v63  }
0x3e: {  	s8 =	sadd.s32 $0xA00, s6  }
0x3f: {  	[hbm4b:s8+s3] =	stream.linear.scatter [tilespmem:s15], [sflag:$0xB], $0x2800, $0x38;
	[tilespmem:$0x1A480] =	vst v63  }
0x40: {  	_ =	swait.ge [sflag:s24], $0x2800  }
0x41: {  	[sflag:s24] =	ssyncset.done $0x0  }
0x42: {  	s1 =	simm.s32 @!p1 $0x10;
	[sflag:s24] =	ssyncadd.s32 $0xFFFFD800  }
0x43: {  	_ =	swait.ge @!p1 [sflag:s1], $0x2800  }
0x44: {  	[sflag:s1] =	ssyncset.done @!p1 $0x0  }
0x45: {  	s9 =	simm.s32 $0x2B0;
	[sflag:s1] =	ssyncadd.s32 @!p1 $0xFFFFD800  }
0x46: {  	[tilespmem:s25], [sflag:$0x8] =	stream.indirect.gather [spmem:s2], $0x80, s9, s10, $0xb8;
	[tilespmem:$0x1A480] =	vst v63  }
0x47: {  	s12 =	sadd.s32 $0xF00, s6  }
0x48: {  	[hbm4b:s12+s3] =	stream.linear.scatter [tilespmem:s17], [sflag:$0xC], $0x2800, $0x38;
	[tilespmem:$0x1A480] =	vst v63  }
0x49: {  	_ =	swait.ge [sflag:s26], $0x2800  }
0x4a: {  	p1 =	por $0x0, $0x0;
	[sflag:s26] =	ssyncset.done $0x0  }
0x4b: {  	s1 =	simm.s32 @!p1 $0x9;
	[sflag:s26] =	ssyncadd.s32 $0xFFFFD800  }
0x4c: {  	_ =	swait.ge @!p1 [sflag:s1], $0x2800  }
0x4d: {  	s8 =	simm.s32 @!p1 $0x300;
	[sflag:s1] =	ssyncset.done @!p1 $0x0  }
0x4e: {  	s9 =	simm.s32 @!p1 $0x6480;
	[sflag:s1] =	ssyncadd.s32 @!p1 $0xFFFFD800;
	s1 =	simm.s32 @!p1 $0x50  }
0x4f: {  	[tilespmem:s9], [sflag:$0x1] =	stream.indirect.gather @!p1 [spmem:s2], $0x80, s8, s1, $0xb8;
	[tilespmem:$0x1A480] =	vst v63  }
0x50: {  	s14 =	sadd.s32 $0x1400, s6  }
0x51: {  	[hbm4b:s14+s3] =	stream.linear.scatter [tilespmem:s19], [sflag:$0xD], $0x2800, $0x38;
	[tilespmem:$0x1A480] =	vst v63  }
0x52: {  	_ =	swait.ge [sflag:s28], $0x2800  }
0x53: {  	[sflag:s28] =	ssyncset.done $0x0  }
0x54: {  	s8 =	simm.s32 @!p1 $0xA;
	[sflag:s28] =	ssyncadd.s32 $0xFFFFD800  }
0x55: {  	_ =	swait.ge @!p1 [sflag:s8], $0x2800  }
0x56: {  	[sflag:s8] =	ssyncset.done @!p1 $0x0  }
0x57: {  	s9 =	simm.s32 @!p1 $0x350;
	[sflag:s8] =	ssyncadd.s32 @!p1 $0xFFFFD800;
	s8 =	simm.s32 @!p1 $0x8C80  }
0x58: {  	[tilespmem:s8], [sflag:$0x2] =	stream.indirect.gather @!p1 [spmem:s2], $0x80, s9, s1, $0xb8;
	[tilespmem:$0x1A480] =	vst v63  }
0x59: {  	s16 =	sadd.s32 $0x1900, s6  }
0x5a: {  	[hbm4b:s16+s3] =	stream.linear.scatter [tilespmem:s21], [sflag:$0xE], $0x2800, $0x38;
	[tilespmem:$0x1A480] =	vst v63  }
0x5b: {  	_ =	swait.ge [sflag:s29], $0x2800  }
0x5c: {  	[sflag:s29] =	ssyncset.done $0x0  }
0x5d: {  	s8 =	simm.s32 @!p1 $0xB;
	[sflag:s29] =	ssyncadd.s32 $0xFFFFD800  }
0x5e: {  	_ =	swait.ge @!p1 [sflag:s8], $0x2800  }
0x5f: {  	[sflag:s8] =	ssyncset.done @!p1 $0x0  }
0x60: {  	s9 =	simm.s32 @!p1 $0x3A0;
	[sflag:s8] =	ssyncadd.s32 @!p1 $0xFFFFD800;
	s8 =	simm.s32 @!p1 $0xB480  }
0x61: {  	[tilespmem:s8], [sflag:$0x3] =	stream.indirect.gather @!p1 [spmem:s2], $0x80, s9, s1, $0xb8;
	[tilespmem:$0x1A480] =	vst v63  }
0x62: {  	s31 =	sadd.s32 $0x1E00, s6  }
0x63: {  	[hbm4b:s31+s3] =	stream.linear.scatter [tilespmem:s23], [sflag:$0xF], $0x2800, $0x38;
	[tilespmem:$0x1A480] =	vst v63  }
0x64: {  	_ =	swait.ge [sflag:s30], $0x2800  }
0x65: {  	[sflag:s30] =	ssyncset.done $0x0  }
0x66: {  	s8 =	simm.s32 @!p1 $0xC;
	[sflag:s30] =	ssyncadd.s32 $0xFFFFD800  }
0x67: {  	_ =	swait.ge @!p1 [sflag:s8], $0x2800  }
0x68: {  	[sflag:s8] =	ssyncset.done @!p1 $0x0  }
0x69: {  	s9 =	simm.s32 @!p1 $0x3F0;
	[sflag:s8] =	ssyncadd.s32 @!p1 $0xFFFFD800;
	s8 =	simm.s32 @!p1 $0xDC80  }
0x6a: {  	[tilespmem:s8], [sflag:$0x4] =	stream.indirect.gather @!p1 [spmem:s2], $0x80, s9, s1, $0xb8;
	[tilespmem:$0x1A480] =	vst v63  }
0x6b: {  	s9 =	simm.s32 $0xA00;
	s1 =	sadd.s32 $0x2300, s6;
	s8 =	sadd.s32 $0x2800, s6  }
.LBB2_2:
0x6c: {  	[hbm4b:s1+s3] =	stream.linear.scatter [tilespmem:s25], [sflag:$0x10], $0x2800, $0x38;
	[tilespmem:$0x1A480] =	vst v63  }
0x6d: {  	s31 =	smov.u32 s9;
	s9 =	sadd.s32 $0xA00, s9;
	_ =	swait.ge [sflag:s18], $0x2800  }
0x6e: {  	p2 =	seq.s32 s31, $0x0;
	p1 =	sne.s32 s9, $0x19000;
	[sflag:s18] =	ssyncset.done $0x0  }
0x6f: {  	s1 =	simm.s32 @!p2 $0xD;
	[sflag:s18] =	ssyncadd.s32 $0xFFFFD800  }
0x70: {  	_ =	swait.ge @!p2 [sflag:s1], $0x2800  }
0x71: {  	s0 =	sshra.s32 s31, $0x2;
	[sflag:s1] =	ssyncset.done @!p2 $0x0  }
0x72: {  	[sflag:s1] =	ssyncadd.s32 @!p2 $0xFFFFD800;
	s1 =	sadd.s32 $0x1C0, s0  }
0x73: {  	[tilespmem:s19], [sflag:$0x5] =	stream.indirect.gather [spmem:s2], $0x80, s1, s10, $0xb8;
	[tilespmem:$0x1A480] =	vst v63  }
0x74: {  	_ = 	snop  }
0x75: {  	[hbm4b:s8+s3] =	stream.linear.scatter [tilespmem:s11], [sflag:$0x9], $0x2800, $0x38;
	[tilespmem:$0x1A480] =	vst v63  }
0x76: {  	_ =	swait.ge [sflag:s20], $0x2800  }
0x77: {  	[sflag:s20] =	ssyncset.done $0x0  }
0x78: {  	s1 =	simm.s32 @!p2 $0xE;
	[sflag:s20] =	ssyncadd.s32 $0xFFFFD800  }
0x79: {  	_ =	swait.ge @!p2 [sflag:s1], $0x2800  }
0x7a: {  	[sflag:s1] =	ssyncset.done @!p2 $0x0  }
0x7b: {  	[sflag:s1] =	ssyncadd.s32 @!p2 $0xFFFFD800;
	s1 =	sadd.s32 $0x210, s0  }
0x7c: {  	[tilespmem:s21], [sflag:$0x6] =	stream.indirect.gather [spmem:s2], $0x80, s1, s10, $0xb8;
	[tilespmem:$0x1A480] =	vst v63  }
0x7d: {  	s1 =	sadd.s32 $0x500, s8  }
0x7e: {  	[hbm4b:s1+s3] =	stream.linear.scatter [tilespmem:s13], [sflag:$0xA], $0x2800, $0x38;
	[tilespmem:$0x1A480] =	vst v63  }
0x7f: {  	_ =	swait.ge [sflag:s22], $0x2800  }
0x80: {  	[sflag:s22] =	ssyncset.done $0x0  }
0x81: {  	s1 =	simm.s32 @!p2 $0xF;
	[sflag:s22] =	ssyncadd.s32 $0xFFFFD800  }
0x82: {  	_ =	swait.ge @!p2 [sflag:s1], $0x2800  }
0x83: {  	[sflag:s1] =	ssyncset.done @!p2 $0x0  }
0x84: {  	[sflag:s1] =	ssyncadd.s32 @!p2 $0xFFFFD800;
	s1 =	sadd.s32 $0x260, s0  }
0x85: {  	[tilespmem:s23], [sflag:$0x7] =	stream.indirect.gather [spmem:s2], $0x80, s1, s10, $0xb8;
	[tilespmem:$0x1A480] =	vst v63  }
0x86: {  	s1 =	sadd.s32 $0xA00, s8  }
0x87: {  	[hbm4b:s1+s3] =	stream.linear.scatter [tilespmem:s15], [sflag:$0xB], $0x2800, $0x38;
	[tilespmem:$0x1A480] =	vst v63  }
0x88: {  	_ =	swait.ge [sflag:s24], $0x2800  }
0x89: {  	[sflag:s24] =	ssyncset.done $0x0  }
0x8a: {  	s1 =	simm.s32 @!p2 $0x10;
	[sflag:s24] =	ssyncadd.s32 $0xFFFFD800  }
0x8b: {  	_ =	swait.ge @!p2 [sflag:s1], $0x2800  }
0x8c: {  	[sflag:s1] =	ssyncset.done @!p2 $0x0  }
0x8d: {  	s0 =	sadd.s32 $0x2B0, s0;
	[sflag:s1] =	ssyncadd.s32 @!p2 $0xFFFFD800  }
0x8e: {  	[tilespmem:s25], [sflag:$0x8] =	stream.indirect.gather [spmem:s2], $0x80, s0, s10, $0xb8;
	[tilespmem:$0x1A480] =	vst v63  }
0x8f: {  	s0 =	sadd.s32 $0xF00, s8  }
0x90: {  	[hbm4b:s0+s3] =	stream.linear.scatter [tilespmem:s17], [sflag:$0xC], $0x2800, $0x38;
	[tilespmem:$0x1A480] =	vst v63  }
0x91: {  	_ =	swait.ge [sflag:s26], $0x2800  }
0x92: {  	p2 =	seq.s32 s31, $0x18600;
	[sflag:s26] =	ssyncset.done $0x0  }
0x93: {  	s1 =	sshra.s32 @!p2 s31, $0x2;
	s0 =	simm.s32 @!p2 $0x9;
	[sflag:s26] =	ssyncadd.s32 $0xFFFFD800  }
0x94: {  	s12 =	sadd.s32 @!p2 $0x300, s1;
	s14 =	sadd.s32 @!p2 $0x350, s1;
	_ =	swait.ge @!p2 [sflag:s0], $0x2800  }
0x95: {  	s16 =	sadd.s32 @!p2 $0x3A0, s1;
	s31 =	sadd.s32 @!p2 $0x3F0, s1;
	[sflag:s0] =	ssyncset.done @!p2 $0x0  }
0x96: {  	s1 =	simm.s32 @!p2 $0x50;
	[sflag:s0] =	ssyncadd.s32 @!p2 $0xFFFFD800;
	s0 =	simm.s32 @!p2 $0x6480  }
0x97: {  	[tilespmem:s0], [sflag:$0x1] =	stream.indirect.gather @!p2 [spmem:s2], $0x80, s12, s1, $0xb8;
	[tilespmem:$0x1A480] =	vst v63  }
0x98: {  	s0 =	sadd.s32 $0x1400, s8  }
0x99: {  	[hbm4b:s0+s3] =	stream.linear.scatter [tilespmem:s19], [sflag:$0xD], $0x2800, $0x38;
	[tilespmem:$0x1A480] =	vst v63  }
0x9a: {  	_ =	swait.ge [sflag:s28], $0x2800  }
0x9b: {  	[sflag:s28] =	ssyncset.done $0x0  }
0x9c: {  	s0 =	simm.s32 @!p2 $0xA;
	[sflag:s28] =	ssyncadd.s32 $0xFFFFD800  }
0x9d: {  	_ =	swait.ge @!p2 [sflag:s0], $0x2800  }
0x9e: {  	[sflag:s0] =	ssyncset.done @!p2 $0x0  }
0x9f: {  	[sflag:s0] =	ssyncadd.s32 @!p2 $0xFFFFD800;
	s0 =	simm.s32 @!p2 $0x8C80  }
0xa0: {  	[tilespmem:s0], [sflag:$0x2] =	stream.indirect.gather @!p2 [spmem:s2], $0x80, s14, s1, $0xb8;
	[tilespmem:$0x1A480] =	vst v63  }
0xa1: {  	s0 =	sadd.s32 $0x1900, s8  }
0xa2: {  	[hbm4b:s0+s3] =	stream.linear.scatter [tilespmem:s21], [sflag:$0xE], $0x2800, $0x38;
	[tilespmem:$0x1A480] =	vst v63  }
0xa3: {  	_ =	swait.ge [sflag:s29], $0x2800  }
0xa4: {  	[sflag:s29] =	ssyncset.done $0x0  }
0xa5: {  	s0 =	simm.s32 @!p2 $0xB;
	[sflag:s29] =	ssyncadd.s32 $0xFFFFD800  }
0xa6: {  	_ =	swait.ge @!p2 [sflag:s0], $0x2800  }
0xa7: {  	[sflag:s0] =	ssyncset.done @!p2 $0x0  }
0xa8: {  	[sflag:s0] =	ssyncadd.s32 @!p2 $0xFFFFD800;
	s0 =	simm.s32 @!p2 $0xB480  }
0xa9: {  	[tilespmem:s0], [sflag:$0x3] =	stream.indirect.gather @!p2 [spmem:s2], $0x80, s16, s1, $0xb8;
	[tilespmem:$0x1A480] =	vst v63  }
0xaa: {  	s0 =	sadd.s32 $0x1E00, s8  }
0xab: {  	[hbm4b:s0+s3] =	stream.linear.scatter [tilespmem:s23], [sflag:$0xF], $0x2800, $0x38;
	[tilespmem:$0x1A480] =	vst v63  }
0xac: {  	_ =	swait.ge [sflag:s30], $0x2800  }
0xad: {  	[sflag:s30] =	ssyncset.done $0x0  }
0xae: {  	s0 =	simm.s32 @!p2 $0xC;
	[sflag:s30] =	ssyncadd.s32 $0xFFFFD800  }
.Ltmp0:
0xaf: {  	_ =	swait.ge @!p2 [sflag:s0], $0x2800;
	(pc) =	sbr.rel @p1 .LBB2_2-.Ltmp0, $4  }
0xb0: {  	[sflag:s0] =	ssyncset.done @!p2 $0x0  }
0xb1: {  	[sflag:s0] =	ssyncadd.s32 @!p2 $0xFFFFD800;
	s0 =	simm.s32 @!p2 $0xDC80  }
0xb2: {  	[tilespmem:s0], [sflag:$0x4] =	stream.indirect.gather @!p2 [spmem:s2], $0x80, s31, s1, $0xb8;
	[tilespmem:$0x1A480] =	vst v63  }
0xb3: {  	s1 =	sadd.s32 $0x2300, s8;
	s8 =	sadd.s32 $0x2800, s8  }
0xb4: {  	[hbm4b:s1+s3] =	stream.linear.scatter [tilespmem:s25], [sflag:$0x10], $0x2800, $0x38;
	[tilespmem:$0x1A480] =	vst v63  }
0xb5: {  	s0 =	simm.s32 $0x9  }
0xb6: {  	_ =	swait.ge [sflag:s0], $0x2800  }
0xb7: {  	[sflag:s0] =	ssyncset.done $0x0  }
0xb8: {  	s8 =	simm.s32 $0xA;
	[sflag:s0] =	ssyncadd.s32 $0xFFFFD800  }
0xb9: {  	_ =	swait.ge [sflag:s8], $0x2800  }
0xba: {  	[sflag:s8] =	ssyncset.done $0x0  }
0xbb: {  	s9 =	simm.s32 $0xB;
	[sflag:s8] =	ssyncadd.s32 $0xFFFFD800  }
0xbc: {  	_ =	swait.ge [sflag:s9], $0x2800  }
0xbd: {  	[sflag:s9] =	ssyncset.done $0x0  }
0xbe: {  	s12 =	simm.s32 $0xC;
	[sflag:s9] =	ssyncadd.s32 $0xFFFFD800  }
0xbf: {  	_ =	swait.ge [sflag:s12], $0x2800  }
0xc0: {  	[sflag:s12] =	ssyncset.done $0x0  }
0xc1: {  	s14 =	simm.s32 $0xD;
	[sflag:s12] =	ssyncadd.s32 $0xFFFFD800  }
0xc2: {  	_ =	swait.ge [sflag:s14], $0x2800  }
0xc3: {  	[sflag:s14] =	ssyncset.done $0x0  }
0xc4: {  	s16 =	simm.s32 $0xE;
	[sflag:s14] =	ssyncadd.s32 $0xFFFFD800  }
0xc5: {  	_ =	swait.ge [sflag:s16], $0x2800  }
0xc6: {  	[sflag:s16] =	ssyncset.done $0x0  }
0xc7: {  	[sflag:s16] =	ssyncadd.s32 $0xFFFFD800  }
0xc8: {  	_ =	swait.ge [sflag:s7], $0x2800  }
0xc9: {  	[sflag:s7] =	ssyncset.done $0x0  }
0xca: {  	[sflag:s7] =	ssyncadd.s32 $0xFFFFD800  }
0xcb: {  	_ =	swait.ge [sflag:s4], $0x2800  }
0xcc: {  	s5 =	sadd.s32 $0x1, s5;
	s31 =	rddreg [dreg:$0x6]  }
0xcd: {  	p1 =	sne.s32 s5, s31  }
.Ltmp1:
0xce: {  	_ = 	snop;
	(pc) =	sbr.rel @p1 .LBB2_1-.Ltmp1, $3  }
0xcf: {  	_ =	sdelay $0x1  }
0xd0: {  	[sflag:s4] =	ssyncset.done $0x0  }
0xd1: {  	[sflag:s4] =	ssyncadd.s32 $0xFFFFD800  }
0xd2: {  	_ =	sfence.sel $0x180000  }
0xd3: {  	[bflag:$0x0] =	sbarrier.arrive $0xFFFF  }
0xd4: {  	_ =	strace $0x90000047  }
0xd5: {  	[bflag:$0x2] =	sbarrier.arrive $0xFFFF  }
0xd6: {  	s0 =	rddreg [dreg:$0x4]  }
0xd7: {  	s0 =	sadd.s32 @!p0 $0x100000, s0  }
0xd8: {  	[sflag:s0] =	ssyncadd.tile.s32 @!p0 $0x1;
	_ =	shalt  }
.Lfunc_end2:
_tile_overlayer_lowered:
.L_overlay_start_2:
0xd9: {  	(tag) =	ssettag $0x2  }
0xda: {  	s0 =	rddreg [dreg:$0x0];
	s2 =	stileid.u32  }
0xdb: {  	s1 =	rddreg [dreg:$0x1];
	p0 =	sne.s32 s2, $0x0  }
0xdc: {  	s3 =	rddreg [dreg:$0x2];
	[bflag:$0x3] =	sbarrier.arrive $0xFFFF;
	s2 =	simm.s32 @!p0 $0x1C11  }
0xdd: {  	[timem:s3], [sflag:s2] =	dma.local @!p0 [hbm:s0], s1  }
0xde: {  	s0 =	simm.s32 @!p0 $0x11  }
0xdf: {  	_ =	swait.ge @!p0 [sflag:s0], s1  }
0xe0: {  	s1 =	ssub.s32 @!p0 $0x0, s1;
	[sflag:s0] =	ssyncset.done @!p0 $0x0  }
0xe1: {  	[sflag:s0] =	ssyncadd.s32 @!p0 s1  }
0xe2: {  	[bflag:$0x3] =	sbarrier.arrive $0xFFFF  }
0xe3: {  	_ =	shalt  }

</sc_bundles>
